<compile_context>
chip_gen: v7x
topology: tpu7x:2x2x1
jax: 0.10.2.dev20260603
libtpu: 0.0.44.dev20260713+nightly
codegen_flags: <defaults>
</compile_context>

<pallas_src>
import jax
import jax.numpy as jnp
from jax import lax
from jax.experimental import pallas as pl
from jax.experimental.pallas import tpu as pltpu
from jax.experimental.pallas import tpu_sc as plsc

TOTAL = 3276800
VOCAB = 1000000
NC = 2
NS = 16
NW = NC * NS
PER_W = TOTAL // NW
CHUNK = 10240
NCHUNK = PER_W // CHUNK
SEG = 62504
SEG_PIECES = (CHUNK, CHUNK, CHUNK, CHUNK, CHUNK, CHUNK, SEG - 6 * CHUNK)


def _vocab_gather(hashes, starts, table,
                  out, out_s, table_sh,
                  idx0, idx1, rows0, rows1, pb0, pb1,
                  isem0, isem1, gsem0, gsem1, osem0, osem1,
                  plsem0, plsem1, pssem0, pssem1):
    cid = lax.axis_index("c")
    sid = lax.axis_index("s")
    wid = sid * NC + cid
    base = wid * PER_W
    idx_v = (idx0, idx1)
    rows_v = (rows0, rows1)
    isem = (isem0, isem1)
    gsem = (gsem0, gsem1)
    osem = (osem0, osem1)
    pb = (pb0, pb1)
    plsem = (plsem0, plsem1)
    pssem = (pssem0, pssem1)

    icp = [None] * NCHUNK
    for i in range(2):
        icp[i] = pltpu.make_async_copy(
            hashes.at[pl.ds(base + i * CHUNK, CHUNK)], idx_v[i], isem[i])
        icp[i].start()

    seg_off = lax.min(sid * SEG, VOCAB - SEG)
    ld = [None, None]
    st = [None, None]
    soff = 0
    for k, sz in enumerate(SEG_PIECES):
        b = k % 2
        if st[b] is not None:
            st[b].wait()
        ld[b] = pltpu.make_async_copy(
            table.at[pl.ds(seg_off + soff, sz)],
            rows_v[b].at[pl.ds(0, sz)], gsem[b])
        ld[b].start()
        ld[b].wait()
        st[b] = pltpu.make_async_copy(
            rows_v[b].at[pl.ds(0, sz)],
            table_sh.at[pl.ds(seg_off + soff, sz)], osem[b])
        st[b].start()
        soff += sz
    for b in range(2):
        st[b].wait()
    plsc.subcore_barrier()

    ocp = [None] * NCHUNK
    pld = [None, None]
    pst = [None, None]
    for i in range(NCHUNK):
        b = i % 2
        off = base + i * CHUNK
        if pst[b] is not None:
            pst[b].wait()
        pld[b] = pltpu.make_async_copy(
            starts.at[pl.ds(off, CHUNK)], pb[b], plsem[b])
        pld[b].start()
        icp[i].wait()
        if i >= 2:
            ocp[i - 2].wait()
        gcp = pltpu.make_async_copy(table_sh.at[idx_v[b]], rows_v[b], gsem[b])
        gcp.start()
        gcp.wait()
        ocp[i] = pltpu.make_async_copy(
            rows_v[b], out.at[pl.ds(off, CHUNK)], osem[b])
        ocp[i].start()
        if i + 2 < NCHUNK:
            icp[i + 2] = pltpu.make_async_copy(
                hashes.at[pl.ds(base + (i + 2) * CHUNK, CHUNK)],
                idx_v[b], isem[b])
            icp[i + 2].start()
        pld[b].wait()
        pst[b] = pltpu.make_async_copy(
            pb[b], out_s.at[pl.ds(off, CHUNK)], pssem[b])
        pst[b].start()
    ocp[NCHUNK - 2].wait()
    ocp[NCHUNK - 1].wait()
    pst[0].wait()
    pst[1].wait()


def kernel(token_hashes, start_ids, end_ids, vocab_table):
    mesh = plsc.VectorSubcoreMesh(core_axis_name="c", subcore_axis_name="s")
    gather = pl.kernel(
        _vocab_gather,
        out_type=(
            jax.ShapeDtypeStruct((TOTAL,), jnp.float32),
            jax.ShapeDtypeStruct((TOTAL,), jnp.int32),
        ),
        mesh=mesh,
        cost_estimate=pl.CostEstimate(
            flops=0, bytes_accessed=80_000_000, transcendentals=0),
        scratch_types=[
            pltpu.VMEM_SHARED((VOCAB,), jnp.float32),
            pltpu.VMEM((CHUNK,), jnp.int32),
            pltpu.VMEM((CHUNK,), jnp.int32),
            pltpu.VMEM((CHUNK,), jnp.float32),
            pltpu.VMEM((CHUNK,), jnp.float32),
            pltpu.VMEM((CHUNK,), jnp.int32),
            pltpu.VMEM((CHUNK,), jnp.int32),
            pltpu.SemaphoreType.DMA,
            pltpu.SemaphoreType.DMA,
            pltpu.SemaphoreType.DMA,
            pltpu.SemaphoreType.DMA,
            pltpu.SemaphoreType.DMA,
            pltpu.SemaphoreType.DMA,
            pltpu.SemaphoreType.DMA,
            pltpu.SemaphoreType.DMA,
            pltpu.SemaphoreType.DMA,
            pltpu.SemaphoreType.DMA,
        ],
    )
    token_ids, sids = gather(token_hashes, start_ids, vocab_table)
    return (token_ids, sids, end_ids)

# --- scband reference (transcript-rebuilt; emitter-appended) ---
"""Pipeline reference for scband-vocab-transform-38096359915736 (READ-ONLY COPY).

The authoritative reference and input builder live on the scoring server;
editing this copy changes nothing except your own understanding.
"""

import jax, jax.numpy as jnp
import numpy as np

VOCAB_SIZE = 1000000
TOTAL_TOKENS = 3276800

def setup_inputs(seed: int = 0) -> dict:
    key = jax.random.key(seed)
    k1, k2, k3, k4 = jax.random.split(key, 4)
    token_hashes = jax.random.randint(k1, (TOTAL_TOKENS,), 0, VOCAB_SIZE, dtype=jnp.int64 if jax.config.jax_enable_x64 else jnp.int32).astype(jnp.int32)
    start_ids = jax.random.randint(k2, (TOTAL_TOKENS,), 0, 8192, dtype=jnp.int32)
    end_ids = jax.random.randint(k3, (TOTAL_TOKENS,), 0, 8192, dtype=jnp.int32)
    # The ScriptVocabulary lookup table: maps raw token hash -> vocab index.
    # Modeled as a dense remap table (float32 so the gather is a real memory-bound
    # embedding-style lookup); values emulate assigned vocab ids with unk fallback.
    vocab_table = jax.random.uniform(k4, (VOCAB_SIZE,), dtype=jnp.float32) * VOCAB_SIZE
    return {"token_hashes": token_hashes, "start_ids": start_ids, "end_ids": end_ids, "vocab_table": vocab_table}

def reference(token_hashes, start_ids, end_ids, vocab_table):
    # vocab.lookup_indices_1d(token_texts): per-token gather into the vocab table.
    token_ids = jnp.take(vocab_table, token_hashes, axis=0)
    # start_ids / end_ids are passed through as long tensors.
    return (token_ids, start_ids.astype(jnp.int32), end_ids.astype(jnp.int32))

if __name__ == "__main__":
    import jax
    _d = setup_inputs()
    print(jax.jit(kernel)(*tuple(_d.values())))

</pallas_src>

<mosaic_0001>
#map = affine_map<(d0, d1) -> (0)>
module attributes {stable_mosaic.version = 14 : i64} {
  func.func @_vocab_gather(%arg0: i32, %arg1: i32, %arg2: memref<3276800xi32, #tpu.memory_space<hbm>>, %arg3: memref<3276800xi32, #tpu.memory_space<hbm>>, %arg4: memref<1000000xf32, #tpu.memory_space<hbm>>, %arg5: memref<3276800xf32, #tpu.memory_space<hbm>>, %arg6: memref<3276800xi32, #tpu.memory_space<hbm>>, %arg7: memref<1000000xf32, #tpu.memory_space<vmem_shared>>, %arg8: memref<10240xi32, #tpu.memory_space<vmem>>, %arg9: memref<10240xi32, #tpu.memory_space<vmem>>, %arg10: memref<10240xf32, #tpu.memory_space<vmem>>, %arg11: memref<10240xf32, #tpu.memory_space<vmem>>, %arg12: memref<10240xi32, #tpu.memory_space<vmem>>, %arg13: memref<10240xi32, #tpu.memory_space<vmem>>, %arg14: memref<!tpu.dma_semaphore, #tpu.memory_space<semaphore_mem>>, %arg15: memref<!tpu.dma_semaphore, #tpu.memory_space<semaphore_mem>>, %arg16: memref<!tpu.dma_semaphore, #tpu.memory_space<semaphore_mem>>, %arg17: memref<!tpu.dma_semaphore, #tpu.memory_space<semaphore_mem>>, %arg18: memref<!tpu.dma_semaphore, #tpu.memory_space<semaphore_mem>>, %arg19: memref<!tpu.dma_semaphore, #tpu.memory_space<semaphore_mem>>, %arg20: memref<!tpu.dma_semaphore, #tpu.memory_space<semaphore_mem>>, %arg21: memref<!tpu.dma_semaphore, #tpu.memory_space<semaphore_mem>>, %arg22: memref<!tpu.dma_semaphore, #tpu.memory_space<semaphore_mem>>, %arg23: memref<!tpu.dma_semaphore, #tpu.memory_space<semaphore_mem>>) attributes {dimension_semantics = [#tpu.dimension_semantics<core_parallel>, #tpu.dimension_semantics<subcore_parallel>], iteration_bounds = array<i64: 2, 16>, scalar_prefetch = 0 : i64, scratch_operands = 17 : i64, tpu.core_type = #tpu.core_type<sc_vector_subcore>, window_params = [{transform_indices = #map}, {transform_indices = #map}, {transform_indices = #map}, {transform_indices = #map}, {transform_indices = #map}]} {
    %mul3A = arith.constant 2 : i32
    %mul3A_0 = arith.muli %arg1, %mul3A : i32
    %add3A = arith.addi %mul3A_0, %arg0 : i32
    %mul3A_1 = arith.constant 102400 : i32
    %mul3A_2 = arith.muli %add3A, %mul3A_1 : i32
    %add3A_3 = arith.constant 0 : i32
    %add3A_4 = arith.addi %mul3A_2, %add3A_3 : i32
    %dma_start3A = tpu.memref_slice %arg2[%add3A_4] : memref<3276800xi32, #tpu.memory_space<hbm>> -> memref<10240xi32, #tpu.memory_space<hbm>>
    %dma_start3A_5 = tpu.memref_slice %arg2[%add3A_4] : memref<3276800xi32, #tpu.memory_space<hbm>> -> memref<10240xi32, #tpu.memory_space<hbm>>
    tpu.enqueue_dma source(%dma_start3A_5 : memref<10240xi32, #tpu.memory_space<hbm>>) target(%arg8 : memref<10240xi32, #tpu.memory_space<vmem>>) target_semaphore(%arg14 : memref<!tpu.dma_semaphore, #tpu.memory_space<semaphore_mem>>)
    %add3A_6 = arith.constant 10240 : i32
    %add3A_7 = arith.addi %mul3A_2, %add3A_6 : i32
    %dma_start3A_8 = tpu.memref_slice %arg2[%add3A_7] : memref<3276800xi32, #tpu.memory_space<hbm>> -> memref<10240xi32, #tpu.memory_space<hbm>>
    %dma_start3A_9 = tpu.memref_slice %arg2[%add3A_7] : memref<3276800xi32, #tpu.memory_space<hbm>> -> memref<10240xi32, #tpu.memory_space<hbm>>
    tpu.enqueue_dma source(%dma_start3A_9 : memref<10240xi32, #tpu.memory_space<hbm>>) target(%arg9 : memref<10240xi32, #tpu.memory_space<vmem>>) target_semaphore(%arg15 : memref<!tpu.dma_semaphore, #tpu.memory_space<semaphore_mem>>)
    %mul3A_10 = arith.constant 62504 : i32
    %mul3A_11 = arith.muli %arg1, %mul3A_10 : i32
    %min3A = arith.constant 937496 : i32
    %min3A_12 = arith.minsi %mul3A_11, %min3A : i32
    %add3A_13 = arith.constant 0 : i32
    %add3A_14 = arith.addi %min3A_12, %add3A_13 : i32
    %dma_start3A_15 = arith.constant 0 : i32
    %dma_start3A_16 = tpu.memref_slice %arg10[%dma_start3A_15] : memref<10240xf32, #tpu.memory_space<vmem>> -> memref<10240xf32, #tpu.memory_space<vmem>>
    %dma_start3A_17 = tpu.memref_slice %arg4[%add3A_14] : memref<1000000xf32, #tpu.memory_space<hbm>> -> memref<10240xf32, #tpu.memory_space<hbm>>
    %dma_start3A_18 = arith.constant 0 : i32
    %dma_start3A_19 = tpu.memref_slice %arg10[%dma_start3A_18] : memref<10240xf32, #tpu.memory_space<vmem>> -> memref<10240xf32, #tpu.memory_space<vmem>>
    %dma_start3A_20 = tpu.memref_slice %arg4[%add3A_14] : memref<1000000xf32, #tpu.memory_space<hbm>> -> memref<10240xf32, #tpu.memory_space<hbm>>
    tpu.enqueue_dma source(%dma_start3A_20 : memref<10240xf32, #tpu.memory_space<hbm>>) target(%dma_start3A_19 : memref<10240xf32, #tpu.memory_space<vmem>>) target_semaphore(%arg16 : memref<!tpu.dma_semaphore, #tpu.memory_space<semaphore_mem>>)
    %dma_wait3A = arith.constant 0 : i32
    %dma_wait3A_21 = tpu.memref_slice %arg10[%dma_wait3A] : memref<10240xf32, #tpu.memory_space<vmem>> -> memref<10240xf32, #tpu.memory_space<vmem>>
    %dma_wait3A_22 = tpu.memref_slice %arg4[%add3A_14] : memref<1000000xf32, #tpu.memory_space<hbm>> -> memref<10240xf32, #tpu.memory_space<hbm>>
    %dma_wait3A_23 = arith.constant 0 : i32
    %dma_wait3A_24 = tpu.memref_slice %arg10[%dma_wait3A_23] : memref<10240xf32, #tpu.memory_space<vmem>> -> memref<10240xf32, #tpu.memory_space<vmem>>
    %dma_wait3A_25 = tpu.memref_slice %arg4[%add3A_14] : memref<1000000xf32, #tpu.memory_space<hbm>> -> memref<10240xf32, #tpu.memory_space<hbm>>
    tpu.wait_dma2 semaphore(%arg16 : memref<!tpu.dma_semaphore, #tpu.memory_space<semaphore_mem>>) src(%dma_wait3A_25 : memref<10240xf32, #tpu.memory_space<hbm>>) dst(%dma_wait3A_24 : memref<10240xf32, #tpu.memory_space<vmem>>)
    %add3A_26 = arith.constant 0 : i32
    %add3A_27 = arith.addi %min3A_12, %add3A_26 : i32
    %dma_start3A_28 = arith.constant 0 : i32
    %dma_start3A_29 = tpu.memref_slice %arg10[%dma_start3A_28] : memref<10240xf32, #tpu.memory_space<vmem>> -> memref<10240xf32, #tpu.memory_space<vmem>>
    %dma_start3A_30 = tpu.memref_slice %arg7[%add3A_27] : memref<1000000xf32, #tpu.memory_space<vmem_shared>> -> memref<10240xf32, #tpu.memory_space<vmem_shared>>
    %dma_start3A_31 = tpu.memref_slice %arg7[%add3A_27] : memref<1000000xf32, #tpu.memory_space<vmem_shared>> -> memref<10240xf32, #tpu.memory_space<vmem_shared>>
    %dma_start3A_32 = arith.constant 0 : i32
    %dma_start3A_33 = tpu.memref_slice %arg10[%dma_start3A_32] : memref<10240xf32, #tpu.memory_space<vmem>> -> memref<10240xf32, #tpu.memory_space<vmem>>
    tpu.enqueue_dma source(%dma_start3A_33 : memref<10240xf32, #tpu.memory_space<vmem>>) target(%dma_start3A_31 : memref<10240xf32, #tpu.memory_space<vmem_shared>>) target_semaphore(%arg18 : memref<!tpu.dma_semaphore, #tpu.memory_space<semaphore_mem>>)
    %add3A_34 = arith.constant 10240 : i32
    %add3A_35 = arith.addi %min3A_12, %add3A_34 : i32
    %dma_start3A_36 = arith.constant 0 : i32
    %dma_start3A_37 = tpu.memref_slice %arg11[%dma_start3A_36] : memref<10240xf32, #tpu.memory_space<vmem>> -> memref<10240xf32, #tpu.memory_space<vmem>>
    %dma_start3A_38 = tpu.memref_slice %arg4[%add3A_35] : memref<1000000xf32, #tpu.memory_space<hbm>> -> memref<10240xf32, #tpu.memory_space<hbm>>
    %dma_start3A_39 = arith.constant 0 : i32
    %dma_start3A_40 = tpu.memref_slice %arg11[%dma_start3A_39] : memref<10240xf32, #tpu.memory_space<vmem>> -> memref<10240xf32, #tpu.memory_space<vmem>>
    %dma_start3A_41 = tpu.memref_slice %arg4[%add3A_35] : memref<1000000xf32, #tpu.memory_space<hbm>> -> memref<10240xf32, #tpu.memory_space<hbm>>
    tpu.enqueue_dma source(%dma_start3A_41 : memref<10240xf32, #tpu.memory_space<hbm>>) target(%dma_start3A_40 : memref<10240xf32, #tpu.memory_space<vmem>>) target_semaphore(%arg17 : memref<!tpu.dma_semaphore, #tpu.memory_space<semaphore_mem>>)
    %dma_wait3A_42 = arith.constant 0 : i32
    %dma_wait3A_43 = tpu.memref_slice %arg11[%dma_wait3A_42] : memref<10240xf32, #tpu.memory_space<vmem>> -> memref<10240xf32, #tpu.memory_space<vmem>>
    %dma_wait3A_44 = tpu.memref_slice %arg4[%add3A_35] : memref<1000000xf32, #tpu.memory_space<hbm>> -> memref<10240xf32, #tpu.memory_space<hbm>>
    %dma_wait3A_45 = arith.constant 0 : i32
    %dma_wait3A_46 = tpu.memref_slice %arg11[%dma_wait3A_45] : memref<10240xf32, #tpu.memory_space<vmem>> -> memref<10240xf32, #tpu.memory_space<vmem>>
    %dma_wait3A_47 = tpu.memref_slice %arg4[%add3A_35] : memref<1000000xf32, #tpu.memory_space<hbm>> -> memref<10240xf32, #tpu.memory_space<hbm>>
    tpu.wait_dma2 semaphore(%arg17 : memref<!tpu.dma_semaphore, #tpu.memory_space<semaphore_mem>>) src(%dma_wait3A_47 : memref<10240xf32, #tpu.memory_space<hbm>>) dst(%dma_wait3A_46 : memref<10240xf32, #tpu.memory_space<vmem>>)
    %add3A_48 = arith.constant 10240 : i32
    %add3A_49 = arith.addi %min3A_12, %add3A_48 : i32
    %dma_start3A_50 = arith.constant 0 : i32
    %dma_start3A_51 = tpu.memref_slice %arg11[%dma_start3A_50] : memref<10240xf32, #tpu.memory_space<vmem>> -> memref<10240xf32, #tpu.memory_space<vmem>>
    %dma_start3A_52 = tpu.memref_slice %arg7[%add3A_49] : memref<1000000xf32, #tpu.memory_space<vmem_shared>> -> memref<10240xf32, #tpu.memory_space<vmem_shared>>
    %dma_start3A_53 = tpu.memref_slice %arg7[%add3A_49] : memref<1000000xf32, #tpu.memory_space<vmem_shared>> -> memref<10240xf32, #tpu.memory_space<vmem_shared>>
    %dma_start3A_54 = arith.constant 0 : i32
    %dma_start3A_55 = tpu.memref_slice %arg11[%dma_start3A_54] : memref<10240xf32, #tpu.memory_space<vmem>> -> memref<10240xf32, #tpu.memory_space<vmem>>
    tpu.enqueue_dma source(%dma_start3A_55 : memref<10240xf32, #tpu.memory_space<vmem>>) target(%dma_start3A_53 : memref<10240xf32, #tpu.memory_space<vmem_shared>>) target_semaphore(%arg19 : memref<!tpu.dma_semaphore, #tpu.memory_space<semaphore_mem>>)
    %dma_wait3A_56 = arith.constant 0 : i32
    %dma_wait3A_57 = tpu.memref_slice %arg10[%dma_wait3A_56] : memref<10240xf32, #tpu.memory_space<vmem>> -> memref<10240xf32, #tpu.memory_space<vmem>>
    %dma_wait3A_58 = tpu.memref_slice %arg7[%add3A_27] : memref<1000000xf32, #tpu.memory_space<vmem_shared>> -> memref<10240xf32, #tpu.memory_space<vmem_shared>>
    %dma_wait3A_59 = tpu.memref_slice %arg7[%add3A_27] : memref<1000000xf32, #tpu.memory_space<vmem_shared>> -> memref<10240xf32, #tpu.memory_space<vmem_shared>>
    %dma_wait3A_60 = arith.constant 0 : i32
    %dma_wait3A_61 = tpu.memref_slice %arg10[%dma_wait3A_60] : memref<10240xf32, #tpu.memory_space<vmem>> -> memref<10240xf32, #tpu.memory_space<vmem>>
    tpu.wait_dma2 semaphore(%arg18 : memref<!tpu.dma_semaphore, #tpu.memory_space<semaphore_mem>>) src(%dma_wait3A_61 : memref<10240xf32, #tpu.memory_space<vmem>>) dst(%dma_wait3A_59 : memref<10240xf32, #tpu.memory_space<vmem_shared>>)
    %add3A_62 = arith.constant 20480 : i32
    %add3A_63 = arith.addi %min3A_12, %add3A_62 : i32
    %dma_start3A_64 = arith.constant 0 : i32
    %dma_start3A_65 = tpu.memref_slice %arg10[%dma_start3A_64] : memref<10240xf32, #tpu.memory_space<vmem>> -> memref<10240xf32, #tpu.memory_space<vmem>>
    %dma_start3A_66 = tpu.memref_slice %arg4[%add3A_63] : memref<1000000xf32, #tpu.memory_space<hbm>> -> memref<10240xf32, #tpu.memory_space<hbm>>
    %dma_start3A_67 = arith.constant 0 : i32
    %dma_start3A_68 = tpu.memref_slice %arg10[%dma_start3A_67] : memref<10240xf32, #tpu.memory_space<vmem>> -> memref<10240xf32, #tpu.memory_space<vmem>>
    %dma_start3A_69 = tpu.memref_slice %arg4[%add3A_63] : memref<1000000xf32, #tpu.memory_space<hbm>> -> memref<10240xf32, #tpu.memory_space<hbm>>
    tpu.enqueue_dma source(%dma_start3A_69 : memref<10240xf32, #tpu.memory_space<hbm>>) target(%dma_start3A_68 : memref<10240xf32, #tpu.memory_space<vmem>>) target_semaphore(%arg16 : memref<!tpu.dma_semaphore, #tpu.memory_space<semaphore_mem>>)
    %dma_wait3A_70 = arith.constant 0 : i32
    %dma_wait3A_71 = tpu.memref_slice %arg10[%dma_wait3A_70] : memref<10240xf32, #tpu.memory_space<vmem>> -> memref<10240xf32, #tpu.memory_space<vmem>>
    %dma_wait3A_72 = tpu.memref_slice %arg4[%add3A_63] : memref<1000000xf32, #tpu.memory_space<hbm>> -> memref<10240xf32, #tpu.memory_space<hbm>>
    %dma_wait3A_73 = arith.constant 0 : i32
    %dma_wait3A_74 = tpu.memref_slice %arg10[%dma_wait3A_73] : memref<10240xf32, #tpu.memory_space<vmem>> -> memref<10240xf32, #tpu.memory_space<vmem>>
    %dma_wait3A_75 = tpu.memref_slice %arg4[%add3A_63] : memref<1000000xf32, #tpu.memory_space<hbm>> -> memref<10240xf32, #tpu.memory_space<hbm>>
    tpu.wait_dma2 semaphore(%arg16 : memref<!tpu.dma_semaphore, #tpu.memory_space<semaphore_mem>>) src(%dma_wait3A_75 : memref<10240xf32, #tpu.memory_space<hbm>>) dst(%dma_wait3A_74 : memref<10240xf32, #tpu.memory_space<vmem>>)
    %add3A_76 = arith.constant 20480 : i32
    %add3A_77 = arith.addi %min3A_12, %add3A_76 : i32
    %dma_start3A_78 = arith.constant 0 : i32
    %dma_start3A_79 = tpu.memref_slice %arg10[%dma_start3A_78] : memref<10240xf32, #tpu.memory_space<vmem>> -> memref<10240xf32, #tpu.memory_space<vmem>>
    %dma_start3A_80 = tpu.memref_slice %arg7[%add3A_77] : memref<1000000xf32, #tpu.memory_space<vmem_shared>> -> memref<10240xf32, #tpu.memory_space<vmem_shared>>
    %dma_start3A_81 = tpu.memref_slice %arg7[%add3A_77] : memref<1000000xf32, #tpu.memory_space<vmem_shared>> -> memref<10240xf32, #tpu.memory_space<vmem_shared>>
    %dma_start3A_82 = arith.constant 0 : i32
    %dma_start3A_83 = tpu.memref_slice %arg10[%dma_start3A_82] : memref<10240xf32, #tpu.memory_space<vmem>> -> memref<10240xf32, #tpu.memory_space<vmem>>
    tpu.enqueue_dma source(%dma_start3A_83 : memref<10240xf32, #tpu.memory_space<vmem>>) target(%dma_start3A_81 : memref<10240xf32, #tpu.memory_space<vmem_shared>>) target_semaphore(%arg18 : memref<!tpu.dma_semaphore, #tpu.memory_space<semaphore_mem>>)
    %dma_wait3A_84 = arith.constant 0 : i32
    %dma_wait3A_85 = tpu.memref_slice %arg11[%dma_wait3A_84] : memref<10240xf32, #tpu.memory_space<vmem>> -> memref<10240xf32, #tpu.memory_space<vmem>>
    %dma_wait3A_86 = tpu.memref_slice %arg7[%add3A_49] : memref<1000000xf32, #tpu.memory_space<vmem_shared>> -> memref<10240xf32, #tpu.memory_space<vmem_shared>>
    %dma_wait3A_87 = tpu.memref_slice %arg7[%add3A_49] : memref<1000000xf32, #tpu.memory_space<vmem_shared>> -> memref<10240xf32, #tpu.memory_space<vmem_shared>>
    %dma_wait3A_88 = arith.constant 0 : i32
    %dma_wait3A_89 = tpu.memref_slice %arg11[%dma_wait3A_88] : memref<10240xf32, #tpu.memory_space<vmem>> -> memref<10240xf32, #tpu.memory_space<vmem>>
    tpu.wait_dma2 semaphore(%arg19 : memref<!tpu.dma_semaphore, #tpu.memory_space<semaphore_mem>>) src(%dma_wait3A_89 : memref<10240xf32, #tpu.memory_space<vmem>>) dst(%dma_wait3A_87 : memref<10240xf32, #tpu.memory_space<vmem_shared>>)
    %add3A_90 = arith.constant 30720 : i32
    %add3A_91 = arith.addi %min3A_12, %add3A_90 : i32
    %dma_start3A_92 = arith.constant 0 : i32
    %dma_start3A_93 = tpu.memref_slice %arg11[%dma_start3A_92] : memref<10240xf32, #tpu.memory_space<vmem>> -> memref<10240xf32, #tpu.memory_space<vmem>>
    %dma_start3A_94 = tpu.memref_slice %arg4[%add3A_91] : memref<1000000xf32, #tpu.memory_space<hbm>> -> memref<10240xf32, #tpu.memory_space<hbm>>
    %dma_start3A_95 = arith.constant 0 : i32
    %dma_start3A_96 = tpu.memref_slice %arg11[%dma_start3A_95] : memref<10240xf32, #tpu.memory_space<vmem>> -> memref<10240xf32, #tpu.memory_space<vmem>>
    %dma_start3A_97 = tpu.memref_slice %arg4[%add3A_91] : memref<1000000xf32, #tpu.memory_space<hbm>> -> memref<10240xf32, #tpu.memory_space<hbm>>
    tpu.enqueue_dma source(%dma_start3A_97 : memref<10240xf32, #tpu.memory_space<hbm>>) target(%dma_start3A_96 : memref<10240xf32, #tpu.memory_space<vmem>>) target_semaphore(%arg17 : memref<!tpu.dma_semaphore, #tpu.memory_space<semaphore_mem>>)
    %dma_wait3A_98 = arith.constant 0 : i32
    %dma_wait3A_99 = tpu.memref_slice %arg11[%dma_wait3A_98] : memref<10240xf32, #tpu.memory_space<vmem>> -> memref<10240xf32, #tpu.memory_space<vmem>>
    %dma_wait3A_100 = tpu.memref_slice %arg4[%add3A_91] : memref<1000000xf32, #tpu.memory_space<hbm>> -> memref<10240xf32, #tpu.memory_space<hbm>>
    %dma_wait3A_101 = arith.constant 0 : i32
    %dma_wait3A_102 = tpu.memref_slice %arg11[%dma_wait3A_101] : memref<10240xf32, #tpu.memory_space<vmem>> -> memref<10240xf32, #tpu.memory_space<vmem>>
    %dma_wait3A_103 = tpu.memref_slice %arg4[%add3A_91] : memref<1000000xf32, #tpu.memory_space<hbm>> -> memref<10240xf32, #tpu.memory_space<hbm>>
    tpu.wait_dma2 semaphore(%arg17 : memref<!tpu.dma_semaphore, #tpu.memory_space<semaphore_mem>>) src(%dma_wait3A_103 : memref<10240xf32, #tpu.memory_space<hbm>>) dst(%dma_wait3A_102 : memref<10240xf32, #tpu.memory_space<vmem>>)
    %add3A_104 = arith.constant 30720 : i32
    %add3A_105 = arith.addi %min3A_12, %add3A_104 : i32
    %dma_start3A_106 = arith.constant 0 : i32
    %dma_start3A_107 = tpu.memref_slice %arg11[%dma_start3A_106] : memref<10240xf32, #tpu.memory_space<vmem>> -> memref<10240xf32, #tpu.memory_space<vmem>>
    %dma_start3A_108 = tpu.memref_slice %arg7[%add3A_105] : memref<1000000xf32, #tpu.memory_space<vmem_shared>> -> memref<10240xf32, #tpu.memory_space<vmem_shared>>
    %dma_start3A_109 = tpu.memref_slice %arg7[%add3A_105] : memref<1000000xf32, #tpu.memory_space<vmem_shared>> -> memref<10240xf32, #tpu.memory_space<vmem_shared>>
    %dma_start3A_110 = arith.constant 0 : i32
    %dma_start3A_111 = tpu.memref_slice %arg11[%dma_start3A_110] : memref<10240xf32, #tpu.memory_space<vmem>> -> memref<10240xf32, #tpu.memory_space<vmem>>
    tpu.enqueue_dma source(%dma_start3A_111 : memref<10240xf32, #tpu.memory_space<vmem>>) target(%dma_start3A_109 : memref<10240xf32, #tpu.memory_space<vmem_shared>>) target_semaphore(%arg19 : memref<!tpu.dma_semaphore, #tpu.memory_space<semaphore_mem>>)
    %dma_wait3A_112 = arith.constant 0 : i32
    %dma_wait3A_113 = tpu.memref_slice %arg10[%dma_wait3A_112] : memref<10240xf32, #tpu.memory_space<vmem>> -> memref<10240xf32, #tpu.memory_space<vmem>>
    %dma_wait3A_114 = tpu.memref_slice %arg7[%add3A_77] : memref<1000000xf32, #tpu.memory_space<vmem_shared>> -> memref<10240xf32, #tpu.memory_space<vmem_shared>>
    %dma_wait3A_115 = tpu.memref_slice %arg7[%add3A_77] : memref<1000000xf32, #tpu.memory_space<vmem_shared>> -> memref<10240xf32, #tpu.memory_space<vmem_shared>>
    %dma_wait3A_116 = arith.constant 0 : i32
    %dma_wait3A_117 = tpu.memref_slice %arg10[%dma_wait3A_116] : memref<10240xf32, #tpu.memory_space<vmem>> -> memref<10240xf32, #tpu.memory_space<vmem>>
    tpu.wait_dma2 semaphore(%arg18 : memref<!tpu.dma_semaphore, #tpu.memory_space<semaphore_mem>>) src(%dma_wait3A_117 : memref<10240xf32, #tpu.memory_space<vmem>>) dst(%dma_wait3A_115 : memref<10240xf32, #tpu.memory_space<vmem_shared>>)
    %add3A_118 = arith.constant 40960 : i32
    %add3A_119 = arith.addi %min3A_12, %add3A_118 : i32
    %dma_start3A_120 = arith.constant 0 : i32
    %dma_start3A_121 = tpu.memref_slice %arg10[%dma_start3A_120] : memref<10240xf32, #tpu.memory_space<vmem>> -> memref<10240xf32, #tpu.memory_space<vmem>>
    %dma_start3A_122 = tpu.memref_slice %arg4[%add3A_119] : memref<1000000xf32, #tpu.memory_space<hbm>> -> memref<10240xf32, #tpu.memory_space<hbm>>
    %dma_start3A_123 = arith.constant 0 : i32
    %dma_start3A_124 = tpu.memref_slice %arg10[%dma_start3A_123] : memref<10240xf32, #tpu.memory_space<vmem>> -> memref<10240xf32, #tpu.memory_space<vmem>>
    %dma_start3A_125 = tpu.memref_slice %arg4[%add3A_119] : memref<1000000xf32, #tpu.memory_space<hbm>> -> memref<10240xf32, #tpu.memory_space<hbm>>
    tpu.enqueue_dma source(%dma_start3A_125 : memref<10240xf32, #tpu.memory_space<hbm>>) target(%dma_start3A_124 : memref<10240xf32, #tpu.memory_space<vmem>>) target_semaphore(%arg16 : memref<!tpu.dma_semaphore, #tpu.memory_space<semaphore_mem>>)
    %dma_wait3A_126 = arith.constant 0 : i32
    %dma_wait3A_127 = tpu.memref_slice %arg10[%dma_wait3A_126] : memref<10240xf32, #tpu.memory_space<vmem>> -> memref<10240xf32, #tpu.memory_space<vmem>>
    %dma_wait3A_128 = tpu.memref_slice %arg4[%add3A_119] : memref<1000000xf32, #tpu.memory_space<hbm>> -> memref<10240xf32, #tpu.memory_space<hbm>>
    %dma_wait3A_129 = arith.constant 0 : i32
    %dma_wait3A_130 = tpu.memref_slice %arg10[%dma_wait3A_129] : memref<10240xf32, #tpu.memory_space<vmem>> -> memref<10240xf32, #tpu.memory_space<vmem>>
    %dma_wait3A_131 = tpu.memref_slice %arg4[%add3A_119] : memref<1000000xf32, #tpu.memory_space<hbm>> -> memref<10240xf32, #tpu.memory_space<hbm>>
    tpu.wait_dma2 semaphore(%arg16 : memref<!tpu.dma_semaphore, #tpu.memory_space<semaphore_mem>>) src(%dma_wait3A_131 : memref<10240xf32, #tpu.memory_space<hbm>>) dst(%dma_wait3A_130 : memref<10240xf32, #tpu.memory_space<vmem>>)
    %add3A_132 = arith.constant 40960 : i32
    %add3A_133 = arith.addi %min3A_12, %add3A_132 : i32
    %dma_start3A_134 = arith.constant 0 : i32
    %dma_start3A_135 = tpu.memref_slice %arg10[%dma_start3A_134] : memref<10240xf32, #tpu.memory_space<vmem>> -> memref<10240xf32, #tpu.memory_space<vmem>>
    %dma_start3A_136 = tpu.memref_slice %arg7[%add3A_133] : memref<1000000xf32, #tpu.memory_space<vmem_shared>> -> memref<10240xf32, #tpu.memory_space<vmem_shared>>
    %dma_start3A_137 = tpu.memref_slice %arg7[%add3A_133] : memref<1000000xf32, #tpu.memory_space<vmem_shared>> -> memref<10240xf32, #tpu.memory_space<vmem_shared>>
    %dma_start3A_138 = arith.constant 0 : i32
    %dma_start3A_139 = tpu.memref_slice %arg10[%dma_start3A_138] : memref<10240xf32, #tpu.memory_space<vmem>> -> memref<10240xf32, #tpu.memory_space<vmem>>
    tpu.enqueue_dma source(%dma_start3A_139 : memref<10240xf32, #tpu.memory_space<vmem>>) target(%dma_start3A_137 : memref<10240xf32, #tpu.memory_space<vmem_shared>>) target_semaphore(%arg18 : memref<!tpu.dma_semaphore, #tpu.memory_space<semaphore_mem>>)
    %dma_wait3A_140 = arith.constant 0 : i32
    %dma_wait3A_141 = tpu.memref_slice %arg11[%dma_wait3A_140] : memref<10240xf32, #tpu.memory_space<vmem>> -> memref<10240xf32, #tpu.memory_space<vmem>>
    %dma_wait3A_142 = tpu.memref_slice %arg7[%add3A_105] : memref<1000000xf32, #tpu.memory_space<vmem_shared>> -> memref<10240xf32, #tpu.memory_space<vmem_shared>>
    %dma_wait3A_143 = tpu.memref_slice %arg7[%add3A_105] : memref<1000000xf32, #tpu.memory_space<vmem_shared>> -> memref<10240xf32, #tpu.memory_space<vmem_shared>>
    %dma_wait3A_144 = arith.constant 0 : i32
    %dma_wait3A_145 = tpu.memref_slice %arg11[%dma_wait3A_144] : memref<10240xf32, #tpu.memory_space<vmem>> -> memref<10240xf32, #tpu.memory_space<vmem>>
    tpu.wait_dma2 semaphore(%arg19 : memref<!tpu.dma_semaphore, #tpu.memory_space<semaphore_mem>>) src(%dma_wait3A_145 : memref<10240xf32, #tpu.memory_space<vmem>>) dst(%dma_wait3A_143 : memref<10240xf32, #tpu.memory_space<vmem_shared>>)
    %add3A_146 = arith.constant 51200 : i32
    %add3A_147 = arith.addi %min3A_12, %add3A_146 : i32
    %dma_start3A_148 = arith.constant 0 : i32
    %dma_start3A_149 = tpu.memref_slice %arg11[%dma_start3A_148] : memref<10240xf32, #tpu.memory_space<vmem>> -> memref<10240xf32, #tpu.memory_space<vmem>>
    %dma_start3A_150 = tpu.memref_slice %arg4[%add3A_147] : memref<1000000xf32, #tpu.memory_space<hbm>> -> memref<10240xf32, #tpu.memory_space<hbm>>
    %dma_start3A_151 = arith.constant 0 : i32
    %dma_start3A_152 = tpu.memref_slice %arg11[%dma_start3A_151] : memref<10240xf32, #tpu.memory_space<vmem>> -> memref<10240xf32, #tpu.memory_space<vmem>>
    %dma_start3A_153 = tpu.memref_slice %arg4[%add3A_147] : memref<1000000xf32, #tpu.memory_space<hbm>> -> memref<10240xf32, #tpu.memory_space<hbm>>
    tpu.enqueue_dma source(%dma_start3A_153 : memref<10240xf32, #tpu.memory_space<hbm>>) target(%dma_start3A_152 : memref<10240xf32, #tpu.memory_space<vmem>>) target_semaphore(%arg17 : memref<!tpu.dma_semaphore, #tpu.memory_space<semaphore_mem>>)
    %dma_wait3A_154 = arith.constant 0 : i32
    %dma_wait3A_155 = tpu.memref_slice %arg11[%dma_wait3A_154] : memref<10240xf32, #tpu.memory_space<vmem>> -> memref<10240xf32, #tpu.memory_space<vmem>>
    %dma_wait3A_156 = tpu.memref_slice %arg4[%add3A_147] : memref<1000000xf32, #tpu.memory_space<hbm>> -> memref<10240xf32, #tpu.memory_space<hbm>>
    %dma_wait3A_157 = arith.constant 0 : i32
    %dma_wait3A_158 = tpu.memref_slice %arg11[%dma_wait3A_157] : memref<10240xf32, #tpu.memory_space<vmem>> -> memref<10240xf32, #tpu.memory_space<vmem>>
    %dma_wait3A_159 = tpu.memref_slice %arg4[%add3A_147] : memref<1000000xf32, #tpu.memory_space<hbm>> -> memref<10240xf32, #tpu.memory_space<hbm>>
    tpu.wait_dma2 semaphore(%arg17 : memref<!tpu.dma_semaphore, #tpu.memory_space<semaphore_mem>>) src(%dma_wait3A_159 : memref<10240xf32, #tpu.memory_space<hbm>>) dst(%dma_wait3A_158 : memref<10240xf32, #tpu.memory_space<vmem>>)
    %add3A_160 = arith.constant 51200 : i32
    %add3A_161 = arith.addi %min3A_12, %add3A_160 : i32
    %dma_start3A_162 = arith.constant 0 : i32
    %dma_start3A_163 = tpu.memref_slice %arg11[%dma_start3A_162] : memref<10240xf32, #tpu.memory_space<vmem>> -> memref<10240xf32, #tpu.memory_space<vmem>>
    %dma_start3A_164 = tpu.memref_slice %arg7[%add3A_161] : memref<1000000xf32, #tpu.memory_space<vmem_shared>> -> memref<10240xf32, #tpu.memory_space<vmem_shared>>
    %dma_start3A_165 = tpu.memref_slice %arg7[%add3A_161] : memref<1000000xf32, #tpu.memory_space<vmem_shared>> -> memref<10240xf32, #tpu.memory_space<vmem_shared>>
    %dma_start3A_166 = arith.constant 0 : i32
    %dma_start3A_167 = tpu.memref_slice %arg11[%dma_start3A_166] : memref<10240xf32, #tpu.memory_space<vmem>> -> memref<10240xf32, #tpu.memory_space<vmem>>
    tpu.enqueue_dma source(%dma_start3A_167 : memref<10240xf32, #tpu.memory_space<vmem>>) target(%dma_start3A_165 : memref<10240xf32, #tpu.memory_space<vmem_shared>>) target_semaphore(%arg19 : memref<!tpu.dma_semaphore, #tpu.memory_space<semaphore_mem>>)
    %dma_wait3A_168 = arith.constant 0 : i32
    %dma_wait3A_169 = tpu.memref_slice %arg10[%dma_wait3A_168] : memref<10240xf32, #tpu.memory_space<vmem>> -> memref<10240xf32, #tpu.memory_space<vmem>>
    %dma_wait3A_170 = tpu.memref_slice %arg7[%add3A_133] : memref<1000000xf32, #tpu.memory_space<vmem_shared>> -> memref<10240xf32, #tpu.memory_space<vmem_shared>>
    %dma_wait3A_171 = tpu.memref_slice %arg7[%add3A_133] : memref<1000000xf32, #tpu.memory_space<vmem_shared>> -> memref<10240xf32, #tpu.memory_space<vmem_shared>>
    %dma_wait3A_172 = arith.constant 0 : i32
    %dma_wait3A_173 = tpu.memref_slice %arg10[%dma_wait3A_172] : memref<10240xf32, #tpu.memory_space<vmem>> -> memref<10240xf32, #tpu.memory_space<vmem>>
    tpu.wait_dma2 semaphore(%arg18 : memref<!tpu.dma_semaphore, #tpu.memory_space<semaphore_mem>>) src(%dma_wait3A_173 : memref<10240xf32, #tpu.memory_space<vmem>>) dst(%dma_wait3A_171 : memref<10240xf32, #tpu.memory_space<vmem_shared>>)
    %add3A_174 = arith.constant 61440 : i32
    %add3A_175 = arith.addi %min3A_12, %add3A_174 : i32
    %dma_start3A_176 = arith.constant 0 : i32
    %dma_start3A_177 = tpu.memref_slice %arg10[%dma_start3A_176] : memref<10240xf32, #tpu.memory_space<vmem>> -> memref<1064xf32, #tpu.memory_space<vmem>>
    %dma_start3A_178 = tpu.memref_slice %arg4[%add3A_175] : memref<1000000xf32, #tpu.memory_space<hbm>> -> memref<1064xf32, #tpu.memory_space<hbm>>
    %dma_start3A_179 = arith.constant 0 : i32
    %dma_start3A_180 = tpu.memref_slice %arg10[%dma_start3A_179] : memref<10240xf32, #tpu.memory_space<vmem>> -> memref<1064xf32, #tpu.memory_space<vmem>>
    %dma_start3A_181 = tpu.memref_slice %arg4[%add3A_175] : memref<1000000xf32, #tpu.memory_space<hbm>> -> memref<1064xf32, #tpu.memory_space<hbm>>
    tpu.enqueue_dma source(%dma_start3A_181 : memref<1064xf32, #tpu.memory_space<hbm>>) target(%dma_start3A_180 : memref<1064xf32, #tpu.memory_space<vmem>>) target_semaphore(%arg16 : memref<!tpu.dma_semaphore, #tpu.memory_space<semaphore_mem>>)
    %dma_wait3A_182 = arith.constant 0 : i32
    %dma_wait3A_183 = tpu.memref_slice %arg10[%dma_wait3A_182] : memref<10240xf32, #tpu.memory_space<vmem>> -> memref<1064xf32, #tpu.memory_space<vmem>>
    %dma_wait3A_184 = tpu.memref_slice %arg4[%add3A_175] : memref<1000000xf32, #tpu.memory_space<hbm>> -> memref<1064xf32, #tpu.memory_space<hbm>>
    %dma_wait3A_185 = arith.constant 0 : i32
    %dma_wait3A_186 = tpu.memref_slice %arg10[%dma_wait3A_185] : memref<10240xf32, #tpu.memory_space<vmem>> -> memref<1064xf32, #tpu.memory_space<vmem>>
    %dma_wait3A_187 = tpu.memref_slice %arg4[%add3A_175] : memref<1000000xf32, #tpu.memory_space<hbm>> -> memref<1064xf32, #tpu.memory_space<hbm>>
    tpu.wait_dma2 semaphore(%arg16 : memref<!tpu.dma_semaphore, #tpu.memory_space<semaphore_mem>>) src(%dma_wait3A_187 : memref<1064xf32, #tpu.memory_space<hbm>>) dst(%dma_wait3A_186 : memref<1064xf32, #tpu.memory_space<vmem>>)
    %add3A_188 = arith.constant 61440 : i32
    %add3A_189 = arith.addi %min3A_12, %add3A_188 : i32
    %dma_start3A_190 = arith.constant 0 : i32
    %dma_start3A_191 = tpu.memref_slice %arg10[%dma_start3A_190] : memref<10240xf32, #tpu.memory_space<vmem>> -> memref<1064xf32, #tpu.memory_space<vmem>>
    %dma_start3A_192 = tpu.memref_slice %arg7[%add3A_189] : memref<1000000xf32, #tpu.memory_space<vmem_shared>> -> memref<1064xf32, #tpu.memory_space<vmem_shared>>
    %dma_start3A_193 = tpu.memref_slice %arg7[%add3A_189] : memref<1000000xf32, #tpu.memory_space<vmem_shared>> -> memref<1064xf32, #tpu.memory_space<vmem_shared>>
    %dma_start3A_194 = arith.constant 0 : i32
    %dma_start3A_195 = tpu.memref_slice %arg10[%dma_start3A_194] : memref<10240xf32, #tpu.memory_space<vmem>> -> memref<1064xf32, #tpu.memory_space<vmem>>
    tpu.enqueue_dma source(%dma_start3A_195 : memref<1064xf32, #tpu.memory_space<vmem>>) target(%dma_start3A_193 : memref<1064xf32, #tpu.memory_space<vmem_shared>>) target_semaphore(%arg18 : memref<!tpu.dma_semaphore, #tpu.memory_space<semaphore_mem>>)
    %dma_wait3A_196 = arith.constant 0 : i32
    %dma_wait3A_197 = tpu.memref_slice %arg10[%dma_wait3A_196] : memref<10240xf32, #tpu.memory_space<vmem>> -> memref<1064xf32, #tpu.memory_space<vmem>>
    %dma_wait3A_198 = tpu.memref_slice %arg7[%add3A_189] : memref<1000000xf32, #tpu.memory_space<vmem_shared>> -> memref<1064xf32, #tpu.memory_space<vmem_shared>>
    %dma_wait3A_199 = tpu.memref_slice %arg7[%add3A_189] : memref<1000000xf32, #tpu.memory_space<vmem_shared>> -> memref<1064xf32, #tpu.memory_space<vmem_shared>>
    %dma_wait3A_200 = arith.constant 0 : i32
    %dma_wait3A_201 = tpu.memref_slice %arg10[%dma_wait3A_200] : memref<10240xf32, #tpu.memory_space<vmem>> -> memref<1064xf32, #tpu.memory_space<vmem>>
    tpu.wait_dma2 semaphore(%arg18 : memref<!tpu.dma_semaphore, #tpu.memory_space<semaphore_mem>>) src(%dma_wait3A_201 : memref<1064xf32, #tpu.memory_space<vmem>>) dst(%dma_wait3A_199 : memref<1064xf32, #tpu.memory_space<vmem_shared>>)
    %dma_wait3A_202 = arith.constant 0 : i32
    %dma_wait3A_203 = tpu.memref_slice %arg11[%dma_wait3A_202] : memref<10240xf32, #tpu.memory_space<vmem>> -> memref<10240xf32, #tpu.memory_space<vmem>>
    %dma_wait3A_204 = tpu.memref_slice %arg7[%add3A_161] : memref<1000000xf32, #tpu.memory_space<vmem_shared>> -> memref<10240xf32, #tpu.memory_space<vmem_shared>>
    %dma_wait3A_205 = tpu.memref_slice %arg7[%add3A_161] : memref<1000000xf32, #tpu.memory_space<vmem_shared>> -> memref<10240xf32, #tpu.memory_space<vmem_shared>>
    %dma_wait3A_206 = arith.constant 0 : i32
    %dma_wait3A_207 = tpu.memref_slice %arg11[%dma_wait3A_206] : memref<10240xf32, #tpu.memory_space<vmem>> -> memref<10240xf32, #tpu.memory_space<vmem>>
    tpu.wait_dma2 semaphore(%arg19 : memref<!tpu.dma_semaphore, #tpu.memory_space<semaphore_mem>>) src(%dma_wait3A_207 : memref<10240xf32, #tpu.memory_space<vmem>>) dst(%dma_wait3A_205 : memref<10240xf32, #tpu.memory_space<vmem_shared>>)
    %barrier3A = arith.constant 0 : index
    tpu.barrier barrier_id(%barrier3A)
    %add3A_208 = arith.constant 0 : i32
    %add3A_209 = arith.addi %mul3A_2, %add3A_208 : i32
    %dma_start3A_210 = tpu.memref_slice %arg3[%add3A_209] : memref<3276800xi32, #tpu.memory_space<hbm>> -> memref<10240xi32, #tpu.memory_space<hbm>>
    %dma_start3A_211 = tpu.memref_slice %arg3[%add3A_209] : memref<3276800xi32, #tpu.memory_space<hbm>> -> memref<10240xi32, #tpu.memory_space<hbm>>
    tpu.enqueue_dma source(%dma_start3A_211 : memref<10240xi32, #tpu.memory_space<hbm>>) target(%arg12 : memref<10240xi32, #tpu.memory_space<vmem>>) target_semaphore(%arg20 : memref<!tpu.dma_semaphore, #tpu.memory_space<semaphore_mem>>)
    %dma_wait3A_212 = tpu.memref_slice %arg2[%add3A_4] : memref<3276800xi32, #tpu.memory_space<hbm>> -> memref<10240xi32, #tpu.memory_space<hbm>>
    %dma_wait3A_213 = tpu.memref_slice %arg2[%add3A_4] : memref<3276800xi32, #tpu.memory_space<hbm>> -> memref<10240xi32, #tpu.memory_space<hbm>>
    tpu.wait_dma2 semaphore(%arg14 : memref<!tpu.dma_semaphore, #tpu.memory_space<semaphore_mem>>) src(%dma_wait3A_213 : memref<10240xi32, #tpu.memory_space<hbm>>) dst(%arg8 : memref<10240xi32, #tpu.memory_space<vmem>>)
    %dma_start3A_214 = arith.constant 0 : i32
    %dma_start3A_215 = tpu.memref_slice %arg7[%dma_start3A_214] : memref<1000000xf32, #tpu.memory_space<vmem_shared>> -> memref<1000000xf32, #tpu.memory_space<vmem_shared>>
    tpu.enqueue_indirect_dma source(%dma_start3A_215 : memref<1000000xf32, #tpu.memory_space<vmem_shared>>) target(%arg10 : memref<10240xf32, #tpu.memory_space<vmem>>) offsets(%arg8 : memref<10240xi32, #tpu.memory_space<vmem>>) semaphore(%arg16 : memref<!tpu.dma_semaphore, #tpu.memory_space<semaphore_mem>>)
    %dma_wait3A_216 = arith.constant 0 : i32
    %dma_wait3A_217 = tpu.memref_slice %arg7[%dma_wait3A_216] : memref<1000000xf32, #tpu.memory_space<vmem_shared>> -> memref<1000000xf32, #tpu.memory_space<vmem_shared>>
    tpu.wait_indirect_dma semaphore(%arg16 : memref<!tpu.dma_semaphore, #tpu.memory_space<semaphore_mem>>) src(%dma_wait3A_217 : memref<1000000xf32, #tpu.memory_space<vmem_shared>>) dst(%arg10 : memref<10240xf32, #tpu.memory_space<vmem>>)
    %dma_start3A_218 = tpu.memref_slice %arg5[%add3A_209] : memref<3276800xf32, #tpu.memory_space<hbm>> -> memref<10240xf32, #tpu.memory_space<hbm>>
    %dma_start3A_219 = tpu.memref_slice %arg5[%add3A_209] : memref<3276800xf32, #tpu.memory_space<hbm>> -> memref<10240xf32, #tpu.memory_space<hbm>>
    tpu.enqueue_dma source(%arg10 : memref<10240xf32, #tpu.memory_space<vmem>>) target(%dma_start3A_219 : memref<10240xf32, #tpu.memory_space<hbm>>) target_semaphore(%arg18 : memref<!tpu.dma_semaphore, #tpu.memory_space<semaphore_mem>>)
    %add3A_220 = arith.constant 20480 : i32
    %add3A_221 = arith.addi %mul3A_2, %add3A_220 : i32
    %dma_start3A_222 = tpu.memref_slice %arg2[%add3A_221] : memref<3276800xi32, #tpu.memory_space<hbm>> -> memref<10240xi32, #tpu.memory_space<hbm>>
    %dma_start3A_223 = tpu.memref_slice %arg2[%add3A_221] : memref<3276800xi32, #tpu.memory_space<hbm>> -> memref<10240xi32, #tpu.memory_space<hbm>>
    tpu.enqueue_dma source(%dma_start3A_223 : memref<10240xi32, #tpu.memory_space<hbm>>) target(%arg8 : memref<10240xi32, #tpu.memory_space<vmem>>) target_semaphore(%arg14 : memref<!tpu.dma_semaphore, #tpu.memory_space<semaphore_mem>>)
    %dma_wait3A_224 = tpu.memref_slice %arg3[%add3A_209] : memref<3276800xi32, #tpu.memory_space<hbm>> -> memref<10240xi32, #tpu.memory_space<hbm>>
    %dma_wait3A_225 = tpu.memref_slice %arg3[%add3A_209] : memref<3276800xi32, #tpu.memory_space<hbm>> -> memref<10240xi32, #tpu.memory_space<hbm>>
    tpu.wait_dma2 semaphore(%arg20 : memref<!tpu.dma_semaphore, #tpu.memory_space<semaphore_mem>>) src(%dma_wait3A_225 : memref<10240xi32, #tpu.memory_space<hbm>>) dst(%arg12 : memref<10240xi32, #tpu.memory_space<vmem>>)
    %dma_start3A_226 = tpu.memref_slice %arg6[%add3A_209] : memref<3276800xi32, #tpu.memory_space<hbm>> -> memref<10240xi32, #tpu.memory_space<hbm>>
    %dma_start3A_227 = tpu.memref_slice %arg6[%add3A_209] : memref<3276800xi32, #tpu.memory_space<hbm>> -> memref<10240xi32, #tpu.memory_space<hbm>>
    tpu.enqueue_dma source(%arg12 : memref<10240xi32, #tpu.memory_space<vmem>>) target(%dma_start3A_227 : memref<10240xi32, #tpu.memory_space<hbm>>) target_semaphore(%arg22 : memref<!tpu.dma_semaphore, #tpu.memory_space<semaphore_mem>>)
    %add3A_228 = arith.constant 10240 : i32
    %add3A_229 = arith.addi %mul3A_2, %add3A_228 : i32
    %dma_start3A_230 = tpu.memref_slice %arg3[%add3A_229] : memref<3276800xi32, #tpu.memory_space<hbm>> -> memref<10240xi32, #tpu.memory_space<hbm>>
    %dma_start3A_231 = tpu.memref_slice %arg3[%add3A_229] : memref<3276800xi32, #tpu.memory_space<hbm>> -> memref<10240xi32, #tpu.memory_space<hbm>>
    tpu.enqueue_dma source(%dma_start3A_231 : memref<10240xi32, #tpu.memory_space<hbm>>) target(%arg13 : memref<10240xi32, #tpu.memory_space<vmem>>) target_semaphore(%arg21 : memref<!tpu.dma_semaphore, #tpu.memory_space<semaphore_mem>>)
    %dma_wait3A_232 = tpu.memref_slice %arg2[%add3A_7] : memref<3276800xi32, #tpu.memory_space<hbm>> -> memref<10240xi32, #tpu.memory_space<hbm>>
    %dma_wait3A_233 = tpu.memref_slice %arg2[%add3A_7] : memref<3276800xi32, #tpu.memory_space<hbm>> -> memref<10240xi32, #tpu.memory_space<hbm>>
    tpu.wait_dma2 semaphore(%arg15 : memref<!tpu.dma_semaphore, #tpu.memory_space<semaphore_mem>>) src(%dma_wait3A_233 : memref<10240xi32, #tpu.memory_space<hbm>>) dst(%arg9 : memref<10240xi32, #tpu.memory_space<vmem>>)
    %dma_start3A_234 = arith.constant 0 : i32
    %dma_start3A_235 = tpu.memref_slice %arg7[%dma_start3A_234] : memref<1000000xf32, #tpu.memory_space<vmem_shared>> -> memref<1000000xf32, #tpu.memory_space<vmem_shared>>
    tpu.enqueue_indirect_dma source(%dma_start3A_235 : memref<1000000xf32, #tpu.memory_space<vmem_shared>>) target(%arg11 : memref<10240xf32, #tpu.memory_space<vmem>>) offsets(%arg9 : memref<10240xi32, #tpu.memory_space<vmem>>) semaphore(%arg17 : memref<!tpu.dma_semaphore, #tpu.memory_space<semaphore_mem>>)
    %dma_wait3A_236 = arith.constant 0 : i32
    %dma_wait3A_237 = tpu.memref_slice %arg7[%dma_wait3A_236] : memref<1000000xf32, #tpu.memory_space<vmem_shared>> -> memref<1000000xf32, #tpu.memory_space<vmem_shared>>
    tpu.wait_indirect_dma semaphore(%arg17 : memref<!tpu.dma_semaphore, #tpu.memory_space<semaphore_mem>>) src(%dma_wait3A_237 : memref<1000000xf32, #tpu.memory_space<vmem_shared>>) dst(%arg11 : memref<10240xf32, #tpu.memory_space<vmem>>)
    %dma_start3A_238 = tpu.memref_slice %arg5[%add3A_229] : memref<3276800xf32, #tpu.memory_space<hbm>> -> memref<10240xf32, #tpu.memory_space<hbm>>
    %dma_start3A_239 = tpu.memref_slice %arg5[%add3A_229] : memref<3276800xf32, #tpu.memory_space<hbm>> -> memref<10240xf32, #tpu.memory_space<hbm>>
    tpu.enqueue_dma source(%arg11 : memref<10240xf32, #tpu.memory_space<vmem>>) target(%dma_start3A_239 : memref<10240xf32, #tpu.memory_space<hbm>>) target_semaphore(%arg19 : memref<!tpu.dma_semaphore, #tpu.memory_space<semaphore_mem>>)
    %add3A_240 = arith.constant 30720 : i32
    %add3A_241 = arith.addi %mul3A_2, %add3A_240 : i32
    %dma_start3A_242 = tpu.memref_slice %arg2[%add3A_241] : memref<3276800xi32, #tpu.memory_space<hbm>> -> memref<10240xi32, #tpu.memory_space<hbm>>
    %dma_start3A_243 = tpu.memref_slice %arg2[%add3A_241] : memref<3276800xi32, #tpu.memory_space<hbm>> -> memref<10240xi32, #tpu.memory_space<hbm>>
    tpu.enqueue_dma source(%dma_start3A_243 : memref<10240xi32, #tpu.memory_space<hbm>>) target(%arg9 : memref<10240xi32, #tpu.memory_space<vmem>>) target_semaphore(%arg15 : memref<!tpu.dma_semaphore, #tpu.memory_space<semaphore_mem>>)
    %dma_wait3A_244 = tpu.memref_slice %arg3[%add3A_229] : memref<3276800xi32, #tpu.memory_space<hbm>> -> memref<10240xi32, #tpu.memory_space<hbm>>
    %dma_wait3A_245 = tpu.memref_slice %arg3[%add3A_229] : memref<3276800xi32, #tpu.memory_space<hbm>> -> memref<10240xi32, #tpu.memory_space<hbm>>
    tpu.wait_dma2 semaphore(%arg21 : memref<!tpu.dma_semaphore, #tpu.memory_space<semaphore_mem>>) src(%dma_wait3A_245 : memref<10240xi32, #tpu.memory_space<hbm>>) dst(%arg13 : memref<10240xi32, #tpu.memory_space<vmem>>)
    %dma_start3A_246 = tpu.memref_slice %arg6[%add3A_229] : memref<3276800xi32, #tpu.memory_space<hbm>> -> memref<10240xi32, #tpu.memory_space<hbm>>
    %dma_start3A_247 = tpu.memref_slice %arg6[%add3A_229] : memref<3276800xi32, #tpu.memory_space<hbm>> -> memref<10240xi32, #tpu.memory_space<hbm>>
    tpu.enqueue_dma source(%arg13 : memref<10240xi32, #tpu.memory_space<vmem>>) target(%dma_start3A_247 : memref<10240xi32, #tpu.memory_space<hbm>>) target_semaphore(%arg23 : memref<!tpu.dma_semaphore, #tpu.memory_space<semaphore_mem>>)
    %add3A_248 = arith.constant 20480 : i32
    %add3A_249 = arith.addi %mul3A_2, %add3A_248 : i32
    %dma_wait3A_250 = tpu.memref_slice %arg6[%add3A_209] : memref<3276800xi32, #tpu.memory_space<hbm>> -> memref<10240xi32, #tpu.memory_space<hbm>>
    %dma_wait3A_251 = tpu.memref_slice %arg6[%add3A_209] : memref<3276800xi32, #tpu.memory_space<hbm>> -> memref<10240xi32, #tpu.memory_space<hbm>>
    tpu.wait_dma2 semaphore(%arg22 : memref<!tpu.dma_semaphore, #tpu.memory_space<semaphore_mem>>) src(%arg12 : memref<10240xi32, #tpu.memory_space<vmem>>) dst(%dma_wait3A_251 : memref<10240xi32, #tpu.memory_space<hbm>>)
    %dma_start3A_252 = tpu.memref_slice %arg3[%add3A_249] : memref<3276800xi32, #tpu.memory_space<hbm>> -> memref<10240xi32, #tpu.memory_space<hbm>>
    %dma_start3A_253 = tpu.memref_slice %arg3[%add3A_249] : memref<3276800xi32, #tpu.memory_space<hbm>> -> memref<10240xi32, #tpu.memory_space<hbm>>
    tpu.enqueue_dma source(%dma_start3A_253 : memref<10240xi32, #tpu.memory_space<hbm>>) target(%arg12 : memref<10240xi32, #tpu.memory_space<vmem>>) target_semaphore(%arg20 : memref<!tpu.dma_semaphore, #tpu.memory_space<semaphore_mem>>)
    %dma_wait3A_254 = tpu.memref_slice %arg2[%add3A_221] : memref<3276800xi32, #tpu.memory_space<hbm>> -> memref<10240xi32, #tpu.memory_space<hbm>>
    %dma_wait3A_255 = tpu.memref_slice %arg2[%add3A_221] : memref<3276800xi32, #tpu.memory_space<hbm>> -> memref<10240xi32, #tpu.memory_space<hbm>>
    tpu.wait_dma2 semaphore(%arg14 : memref<!tpu.dma_semaphore, #tpu.memory_space<semaphore_mem>>) src(%dma_wait3A_255 : memref<10240xi32, #tpu.memory_space<hbm>>) dst(%arg8 : memref<10240xi32, #tpu.memory_space<vmem>>)
    %dma_wait3A_256 = tpu.memref_slice %arg5[%add3A_209] : memref<3276800xf32, #tpu.memory_space<hbm>> -> memref<10240xf32, #tpu.memory_space<hbm>>
    %dma_wait3A_257 = tpu.memref_slice %arg5[%add3A_209] : memref<3276800xf32, #tpu.memory_space<hbm>> -> memref<10240xf32, #tpu.memory_space<hbm>>
    tpu.wait_dma2 semaphore(%arg18 : memref<!tpu.dma_semaphore, #tpu.memory_space<semaphore_mem>>) src(%arg10 : memref<10240xf32, #tpu.memory_space<vmem>>) dst(%dma_wait3A_257 : memref<10240xf32, #tpu.memory_space<hbm>>)
    %dma_start3A_258 = arith.constant 0 : i32
    %dma_start3A_259 = tpu.memref_slice %arg7[%dma_start3A_258] : memref<1000000xf32, #tpu.memory_space<vmem_shared>> -> memref<1000000xf32, #tpu.memory_space<vmem_shared>>
    tpu.enqueue_indirect_dma source(%dma_start3A_259 : memref<1000000xf32, #tpu.memory_space<vmem_shared>>) target(%arg10 : memref<10240xf32, #tpu.memory_space<vmem>>) offsets(%arg8 : memref<10240xi32, #tpu.memory_space<vmem>>) semaphore(%arg16 : memref<!tpu.dma_semaphore, #tpu.memory_space<semaphore_mem>>)
    %dma_wait3A_260 = arith.constant 0 : i32
    %dma_wait3A_261 = tpu.memref_slice %arg7[%dma_wait3A_260] : memref<1000000xf32, #tpu.memory_space<vmem_shared>> -> memref<1000000xf32, #tpu.memory_space<vmem_shared>>
    tpu.wait_indirect_dma semaphore(%arg16 : memref<!tpu.dma_semaphore, #tpu.memory_space<semaphore_mem>>) src(%dma_wait3A_261 : memref<1000000xf32, #tpu.memory_space<vmem_shared>>) dst(%arg10 : memref<10240xf32, #tpu.memory_space<vmem>>)
    %dma_start3A_262 = tpu.memref_slice %arg5[%add3A_249] : memref<3276800xf32, #tpu.memory_space<hbm>> -> memref<10240xf32, #tpu.memory_space<hbm>>
    %dma_start3A_263 = tpu.memref_slice %arg5[%add3A_249] : memref<3276800xf32, #tpu.memory_space<hbm>> -> memref<10240xf32, #tpu.memory_space<hbm>>
    tpu.enqueue_dma source(%arg10 : memref<10240xf32, #tpu.memory_space<vmem>>) target(%dma_start3A_263 : memref<10240xf32, #tpu.memory_space<hbm>>) target_semaphore(%arg18 : memref<!tpu.dma_semaphore, #tpu.memory_space<semaphore_mem>>)
    %add3A_264 = arith.constant 40960 : i32
    %add3A_265 = arith.addi %mul3A_2, %add3A_264 : i32
    %dma_start3A_266 = tpu.memref_slice %arg2[%add3A_265] : memref<3276800xi32, #tpu.memory_space<hbm>> -> memref<10240xi32, #tpu.memory_space<hbm>>
    %dma_start3A_267 = tpu.memref_slice %arg2[%add3A_265] : memref<3276800xi32, #tpu.memory_space<hbm>> -> memref<10240xi32, #tpu.memory_space<hbm>>
    tpu.enqueue_dma source(%dma_start3A_267 : memref<10240xi32, #tpu.memory_space<hbm>>) target(%arg8 : memref<10240xi32, #tpu.memory_space<vmem>>) target_semaphore(%arg14 : memref<!tpu.dma_semaphore, #tpu.memory_space<semaphore_mem>>)
    %dma_wait3A_268 = tpu.memref_slice %arg3[%add3A_249] : memref<3276800xi32, #tpu.memory_space<hbm>> -> memref<10240xi32, #tpu.memory_space<hbm>>
    %dma_wait3A_269 = tpu.memref_slice %arg3[%add3A_249] : memref<3276800xi32, #tpu.memory_space<hbm>> -> memref<10240xi32, #tpu.memory_space<hbm>>
    tpu.wait_dma2 semaphore(%arg20 : memref<!tpu.dma_semaphore, #tpu.memory_space<semaphore_mem>>) src(%dma_wait3A_269 : memref<10240xi32, #tpu.memory_space<hbm>>) dst(%arg12 : memref<10240xi32, #tpu.memory_space<vmem>>)
    %dma_start3A_270 = tpu.memref_slice %arg6[%add3A_249] : memref<3276800xi32, #tpu.memory_space<hbm>> -> memref<10240xi32, #tpu.memory_space<hbm>>
    %dma_start3A_271 = tpu.memref_slice %arg6[%add3A_249] : memref<3276800xi32, #tpu.memory_space<hbm>> -> memref<10240xi32, #tpu.memory_space<hbm>>
    tpu.enqueue_dma source(%arg12 : memref<10240xi32, #tpu.memory_space<vmem>>) target(%dma_start3A_271 : memref<10240xi32, #tpu.memory_space<hbm>>) target_semaphore(%arg22 : memref<!tpu.dma_semaphore, #tpu.memory_space<semaphore_mem>>)
    %add3A_272 = arith.constant 30720 : i32
    %add3A_273 = arith.addi %mul3A_2, %add3A_272 : i32
    %dma_wait3A_274 = tpu.memref_slice %arg6[%add3A_229] : memref<3276800xi32, #tpu.memory_space<hbm>> -> memref<10240xi32, #tpu.memory_space<hbm>>
    %dma_wait3A_275 = tpu.memref_slice %arg6[%add3A_229] : memref<3276800xi32, #tpu.memory_space<hbm>> -> memref<10240xi32, #tpu.memory_space<hbm>>
    tpu.wait_dma2 semaphore(%arg23 : memref<!tpu.dma_semaphore, #tpu.memory_space<semaphore_mem>>) src(%arg13 : memref<10240xi32, #tpu.memory_space<vmem>>) dst(%dma_wait3A_275 : memref<10240xi32, #tpu.memory_space<hbm>>)
    %dma_start3A_276 = tpu.memref_slice %arg3[%add3A_273] : memref<3276800xi32, #tpu.memory_space<hbm>> -> memref<10240xi32, #tpu.memory_space<hbm>>
    %dma_start3A_277 = tpu.memref_slice %arg3[%add3A_273] : memref<3276800xi32, #tpu.memory_space<hbm>> -> memref<10240xi32, #tpu.memory_space<hbm>>
    tpu.enqueue_dma source(%dma_start3A_277 : memref<10240xi32, #tpu.memory_space<hbm>>) target(%arg13 : memref<10240xi32, #tpu.memory_space<vmem>>) target_semaphore(%arg21 : memref<!tpu.dma_semaphore, #tpu.memory_space<semaphore_mem>>)
    %dma_wait3A_278 = tpu.memref_slice %arg2[%add3A_241] : memref<3276800xi32, #tpu.memory_space<hbm>> -> memref<10240xi32, #tpu.memory_space<hbm>>
    %dma_wait3A_279 = tpu.memref_slice %arg2[%add3A_241] : memref<3276800xi32, #tpu.memory_space<hbm>> -> memref<10240xi32, #tpu.memory_space<hbm>>
    tpu.wait_dma2 semaphore(%arg15 : memref<!tpu.dma_semaphore, #tpu.memory_space<semaphore_mem>>) src(%dma_wait3A_279 : memref<10240xi32, #tpu.memory_space<hbm>>) dst(%arg9 : memref<10240xi32, #tpu.memory_space<vmem>>)
    %dma_wait3A_280 = tpu.memref_slice %arg5[%add3A_229] : memref<3276800xf32, #tpu.memory_space<hbm>> -> memref<10240xf32, #tpu.memory_space<hbm>>
    %dma_wait3A_281 = tpu.memref_slice %arg5[%add3A_229] : memref<3276800xf32, #tpu.memory_space<hbm>> -> memref<10240xf32, #tpu.memory_space<hbm>>
    tpu.wait_dma2 semaphore(%arg19 : memref<!tpu.dma_semaphore, #tpu.memory_space<semaphore_mem>>) src(%arg11 : memref<10240xf32, #tpu.memory_space<vmem>>) dst(%dma_wait3A_281 : memref<10240xf32, #tpu.memory_space<hbm>>)
    %dma_start3A_282 = arith.constant 0 : i32
    %dma_start3A_283 = tpu.memref_slice %arg7[%dma_start3A_282] : memref<1000000xf32, #tpu.memory_space<vmem_shared>> -> memref<1000000xf32, #tpu.memory_space<vmem_shared>>
    tpu.enqueue_indirect_dma source(%dma_start3A_283 : memref<1000000xf32, #tpu.memory_space<vmem_shared>>) target(%arg11 : memref<10240xf32, #tpu.memory_space<vmem>>) offsets(%arg9 : memref<10240xi32, #tpu.memory_space<vmem>>) semaphore(%arg17 : memref<!tpu.dma_semaphore, #tpu.memory_space<semaphore_mem>>)
    %dma_wait3A_284 = arith.constant 0 : i32
    %dma_wait3A_285 = tpu.memref_slice %arg7[%dma_wait3A_284] : memref<1000000xf32, #tpu.memory_space<vmem_shared>> -> memref<1000000xf32, #tpu.memory_space<vmem_shared>>
    tpu.wait_indirect_dma semaphore(%arg17 : memref<!tpu.dma_semaphore, #tpu.memory_space<semaphore_mem>>) src(%dma_wait3A_285 : memref<1000000xf32, #tpu.memory_space<vmem_shared>>) dst(%arg11 : memref<10240xf32, #tpu.memory_space<vmem>>)
    %dma_start3A_286 = tpu.memref_slice %arg5[%add3A_273] : memref<3276800xf32, #tpu.memory_space<hbm>> -> memref<10240xf32, #tpu.memory_space<hbm>>
    %dma_start3A_287 = tpu.memref_slice %arg5[%add3A_273] : memref<3276800xf32, #tpu.memory_space<hbm>> -> memref<10240xf32, #tpu.memory_space<hbm>>
    tpu.enqueue_dma source(%arg11 : memref<10240xf32, #tpu.memory_space<vmem>>) target(%dma_start3A_287 : memref<10240xf32, #tpu.memory_space<hbm>>) target_semaphore(%arg19 : memref<!tpu.dma_semaphore, #tpu.memory_space<semaphore_mem>>)
    %add3A_288 = arith.constant 51200 : i32
    %add3A_289 = arith.addi %mul3A_2, %add3A_288 : i32
    %dma_start3A_290 = tpu.memref_slice %arg2[%add3A_289] : memref<3276800xi32, #tpu.memory_space<hbm>> -> memref<10240xi32, #tpu.memory_space<hbm>>
    %dma_start3A_291 = tpu.memref_slice %arg2[%add3A_289] : memref<3276800xi32, #tpu.memory_space<hbm>> -> memref<10240xi32, #tpu.memory_space<hbm>>
    tpu.enqueue_dma source(%dma_start3A_291 : memref<10240xi32, #tpu.memory_space<hbm>>) target(%arg9 : memref<10240xi32, #tpu.memory_space<vmem>>) target_semaphore(%arg15 : memref<!tpu.dma_semaphore, #tpu.memory_space<semaphore_mem>>)
    %dma_wait3A_292 = tpu.memref_slice %arg3[%add3A_273] : memref<3276800xi32, #tpu.memory_space<hbm>> -> memref<10240xi32, #tpu.memory_space<hbm>>
    %dma_wait3A_293 = tpu.memref_slice %arg3[%add3A_273] : memref<3276800xi32, #tpu.memory_space<hbm>> -> memref<10240xi32, #tpu.memory_space<hbm>>
    tpu.wait_dma2 semaphore(%arg21 : memref<!tpu.dma_semaphore, #tpu.memory_space<semaphore_mem>>) src(%dma_wait3A_293 : memref<10240xi32, #tpu.memory_space<hbm>>) dst(%arg13 : memref<10240xi32, #tpu.memory_space<vmem>>)
    %dma_start3A_294 = tpu.memref_slice %arg6[%add3A_273] : memref<3276800xi32, #tpu.memory_space<hbm>> -> memref<10240xi32, #tpu.memory_space<hbm>>
    %dma_start3A_295 = tpu.memref_slice %arg6[%add3A_273] : memref<3276800xi32, #tpu.memory_space<hbm>> -> memref<10240xi32, #tpu.memory_space<hbm>>
    tpu.enqueue_dma source(%arg13 : memref<10240xi32, #tpu.memory_space<vmem>>) target(%dma_start3A_295 : memref<10240xi32, #tpu.memory_space<hbm>>) target_semaphore(%arg23 : memref<!tpu.dma_semaphore, #tpu.memory_space<semaphore_mem>>)
    %add3A_296 = arith.constant 40960 : i32
    %add3A_297 = arith.addi %mul3A_2, %add3A_296 : i32
    %dma_wait3A_298 = tpu.memref_slice %arg6[%add3A_249] : memref<3276800xi32, #tpu.memory_space<hbm>> -> memref<10240xi32, #tpu.memory_space<hbm>>
    %dma_wait3A_299 = tpu.memref_slice %arg6[%add3A_249] : memref<3276800xi32, #tpu.memory_space<hbm>> -> memref<10240xi32, #tpu.memory_space<hbm>>
    tpu.wait_dma2 semaphore(%arg22 : memref<!tpu.dma_semaphore, #tpu.memory_space<semaphore_mem>>) src(%arg12 : memref<10240xi32, #tpu.memory_space<vmem>>) dst(%dma_wait3A_299 : memref<10240xi32, #tpu.memory_space<hbm>>)
    %dma_start3A_300 = tpu.memref_slice %arg3[%add3A_297] : memref<3276800xi32, #tpu.memory_space<hbm>> -> memref<10240xi32, #tpu.memory_space<hbm>>
    %dma_start3A_301 = tpu.memref_slice %arg3[%add3A_297] : memref<3276800xi32, #tpu.memory_space<hbm>> -> memref<10240xi32, #tpu.memory_space<hbm>>
    tpu.enqueue_dma source(%dma_start3A_301 : memref<10240xi32, #tpu.memory_space<hbm>>) target(%arg12 : memref<10240xi32, #tpu.memory_space<vmem>>) target_semaphore(%arg20 : memref<!tpu.dma_semaphore, #tpu.memory_space<semaphore_mem>>)
    %dma_wait3A_302 = tpu.memref_slice %arg2[%add3A_265] : memref<3276800xi32, #tpu.memory_space<hbm>> -> memref<10240xi32, #tpu.memory_space<hbm>>
    %dma_wait3A_303 = tpu.memref_slice %arg2[%add3A_265] : memref<3276800xi32, #tpu.memory_space<hbm>> -> memref<10240xi32, #tpu.memory_space<hbm>>
    tpu.wait_dma2 semaphore(%arg14 : memref<!tpu.dma_semaphore, #tpu.memory_space<semaphore_mem>>) src(%dma_wait3A_303 : memref<10240xi32, #tpu.memory_space<hbm>>) dst(%arg8 : memref<10240xi32, #tpu.memory_space<vmem>>)
    %dma_wait3A_304 = tpu.memref_slice %arg5[%add3A_249] : memref<3276800xf32, #tpu.memory_space<hbm>> -> memref<10240xf32, #tpu.memory_space<hbm>>
    %dma_wait3A_305 = tpu.memref_slice %arg5[%add3A_249] : memref<3276800xf32, #tpu.memory_space<hbm>> -> memref<10240xf32, #tpu.memory_space<hbm>>
    tpu.wait_dma2 semaphore(%arg18 : memref<!tpu.dma_semaphore, #tpu.memory_space<semaphore_mem>>) src(%arg10 : memref<10240xf32, #tpu.memory_space<vmem>>) dst(%dma_wait3A_305 : memref<10240xf32, #tpu.memory_space<hbm>>)
    %dma_start3A_306 = arith.constant 0 : i32
    %dma_start3A_307 = tpu.memref_slice %arg7[%dma_start3A_306] : memref<1000000xf32, #tpu.memory_space<vmem_shared>> -> memref<1000000xf32, #tpu.memory_space<vmem_shared>>
    tpu.enqueue_indirect_dma source(%dma_start3A_307 : memref<1000000xf32, #tpu.memory_space<vmem_shared>>) target(%arg10 : memref<10240xf32, #tpu.memory_space<vmem>>) offsets(%arg8 : memref<10240xi32, #tpu.memory_space<vmem>>) semaphore(%arg16 : memref<!tpu.dma_semaphore, #tpu.memory_space<semaphore_mem>>)
    %dma_wait3A_308 = arith.constant 0 : i32
    %dma_wait3A_309 = tpu.memref_slice %arg7[%dma_wait3A_308] : memref<1000000xf32, #tpu.memory_space<vmem_shared>> -> memref<1000000xf32, #tpu.memory_space<vmem_shared>>
    tpu.wait_indirect_dma semaphore(%arg16 : memref<!tpu.dma_semaphore, #tpu.memory_space<semaphore_mem>>) src(%dma_wait3A_309 : memref<1000000xf32, #tpu.memory_space<vmem_shared>>) dst(%arg10 : memref<10240xf32, #tpu.memory_space<vmem>>)
    %dma_start3A_310 = tpu.memref_slice %arg5[%add3A_297] : memref<3276800xf32, #tpu.memory_space<hbm>> -> memref<10240xf32, #tpu.memory_space<hbm>>
    %dma_start3A_311 = tpu.memref_slice %arg5[%add3A_297] : memref<3276800xf32, #tpu.memory_space<hbm>> -> memref<10240xf32, #tpu.memory_space<hbm>>
    tpu.enqueue_dma source(%arg10 : memref<10240xf32, #tpu.memory_space<vmem>>) target(%dma_start3A_311 : memref<10240xf32, #tpu.memory_space<hbm>>) target_semaphore(%arg18 : memref<!tpu.dma_semaphore, #tpu.memory_space<semaphore_mem>>)
    %add3A_312 = arith.constant 61440 : i32
    %add3A_313 = arith.addi %mul3A_2, %add3A_312 : i32
    %dma_start3A_314 = tpu.memref_slice %arg2[%add3A_313] : memref<3276800xi32, #tpu.memory_space<hbm>> -> memref<10240xi32, #tpu.memory_space<hbm>>
    %dma_start3A_315 = tpu.memref_slice %arg2[%add3A_313] : memref<3276800xi32, #tpu.memory_space<hbm>> -> memref<10240xi32, #tpu.memory_space<hbm>>
    tpu.enqueue_dma source(%dma_start3A_315 : memref<10240xi32, #tpu.memory_space<hbm>>) target(%arg8 : memref<10240xi32, #tpu.memory_space<vmem>>) target_semaphore(%arg14 : memref<!tpu.dma_semaphore, #tpu.memory_space<semaphore_mem>>)
    %dma_wait3A_316 = tpu.memref_slice %arg3[%add3A_297] : memref<3276800xi32, #tpu.memory_space<hbm>> -> memref<10240xi32, #tpu.memory_space<hbm>>
    %dma_wait3A_317 = tpu.memref_slice %arg3[%add3A_297] : memref<3276800xi32, #tpu.memory_space<hbm>> -> memref<10240xi32, #tpu.memory_space<hbm>>
    tpu.wait_dma2 semaphore(%arg20 : memref<!tpu.dma_semaphore, #tpu.memory_space<semaphore_mem>>) src(%dma_wait3A_317 : memref<10240xi32, #tpu.memory_space<hbm>>) dst(%arg12 : memref<10240xi32, #tpu.memory_space<vmem>>)
    %dma_start3A_318 = tpu.memref_slice %arg6[%add3A_297] : memref<3276800xi32, #tpu.memory_space<hbm>> -> memref<10240xi32, #tpu.memory_space<hbm>>
    %dma_start3A_319 = tpu.memref_slice %arg6[%add3A_297] : memref<3276800xi32, #tpu.memory_space<hbm>> -> memref<10240xi32, #tpu.memory_space<hbm>>
    tpu.enqueue_dma source(%arg12 : memref<10240xi32, #tpu.memory_space<vmem>>) target(%dma_start3A_319 : memref<10240xi32, #tpu.memory_space<hbm>>) target_semaphore(%arg22 : memref<!tpu.dma_semaphore, #tpu.memory_space<semaphore_mem>>)
    %add3A_320 = arith.constant 51200 : i32
    %add3A_321 = arith.addi %mul3A_2, %add3A_320 : i32
    %dma_wait3A_322 = tpu.memref_slice %arg6[%add3A_273] : memref<3276800xi32, #tpu.memory_space<hbm>> -> memref<10240xi32, #tpu.memory_space<hbm>>
    %dma_wait3A_323 = tpu.memref_slice %arg6[%add3A_273] : memref<3276800xi32, #tpu.memory_space<hbm>> -> memref<10240xi32, #tpu.memory_space<hbm>>
    tpu.wait_dma2 semaphore(%arg23 : memref<!tpu.dma_semaphore, #tpu.memory_space<semaphore_mem>>) src(%arg13 : memref<10240xi32, #tpu.memory_space<vmem>>) dst(%dma_wait3A_323 : memref<10240xi32, #tpu.memory_space<hbm>>)
    %dma_start3A_324 = tpu.memref_slice %arg3[%add3A_321] : memref<3276800xi32, #tpu.memory_space<hbm>> -> memref<10240xi32, #tpu.memory_space<hbm>>
    %dma_start3A_325 = tpu.memref_slice %arg3[%add3A_321] : memref<3276800xi32, #tpu.memory_space<hbm>> -> memref<10240xi32, #tpu.memory_space<hbm>>
    tpu.enqueue_dma source(%dma_start3A_325 : memref<10240xi32, #tpu.memory_space<hbm>>) target(%arg13 : memref<10240xi32, #tpu.memory_space<vmem>>) target_semaphore(%arg21 : memref<!tpu.dma_semaphore, #tpu.memory_space<semaphore_mem>>)
    %dma_wait3A_326 = tpu.memref_slice %arg2[%add3A_289] : memref<3276800xi32, #tpu.memory_space<hbm>> -> memref<10240xi32, #tpu.memory_space<hbm>>
    %dma_wait3A_327 = tpu.memref_slice %arg2[%add3A_289] : memref<3276800xi32, #tpu.memory_space<hbm>> -> memref<10240xi32, #tpu.memory_space<hbm>>
    tpu.wait_dma2 semaphore(%arg15 : memref<!tpu.dma_semaphore, #tpu.memory_space<semaphore_mem>>) src(%dma_wait3A_327 : memref<10240xi32, #tpu.memory_space<hbm>>) dst(%arg9 : memref<10240xi32, #tpu.memory_space<vmem>>)
    %dma_wait3A_328 = tpu.memref_slice %arg5[%add3A_273] : memref<3276800xf32, #tpu.memory_space<hbm>> -> memref<10240xf32, #tpu.memory_space<hbm>>
    %dma_wait3A_329 = tpu.memref_slice %arg5[%add3A_273] : memref<3276800xf32, #tpu.memory_space<hbm>> -> memref<10240xf32, #tpu.memory_space<hbm>>
    tpu.wait_dma2 semaphore(%arg19 : memref<!tpu.dma_semaphore, #tpu.memory_space<semaphore_mem>>) src(%arg11 : memref<10240xf32, #tpu.memory_space<vmem>>) dst(%dma_wait3A_329 : memref<10240xf32, #tpu.memory_space<hbm>>)
    %dma_start3A_330 = arith.constant 0 : i32
    %dma_start3A_331 = tpu.memref_slice %arg7[%dma_start3A_330] : memref<1000000xf32, #tpu.memory_space<vmem_shared>> -> memref<1000000xf32, #tpu.memory_space<vmem_shared>>
    tpu.enqueue_indirect_dma source(%dma_start3A_331 : memref<1000000xf32, #tpu.memory_space<vmem_shared>>) target(%arg11 : memref<10240xf32, #tpu.memory_space<vmem>>) offsets(%arg9 : memref<10240xi32, #tpu.memory_space<vmem>>) semaphore(%arg17 : memref<!tpu.dma_semaphore, #tpu.memory_space<semaphore_mem>>)
    %dma_wait3A_332 = arith.constant 0 : i32
    %dma_wait3A_333 = tpu.memref_slice %arg7[%dma_wait3A_332] : memref<1000000xf32, #tpu.memory_space<vmem_shared>> -> memref<1000000xf32, #tpu.memory_space<vmem_shared>>
    tpu.wait_indirect_dma semaphore(%arg17 : memref<!tpu.dma_semaphore, #tpu.memory_space<semaphore_mem>>) src(%dma_wait3A_333 : memref<1000000xf32, #tpu.memory_space<vmem_shared>>) dst(%arg11 : memref<10240xf32, #tpu.memory_space<vmem>>)
    %dma_start3A_334 = tpu.memref_slice %arg5[%add3A_321] : memref<3276800xf32, #tpu.memory_space<hbm>> -> memref<10240xf32, #tpu.memory_space<hbm>>
    %dma_start3A_335 = tpu.memref_slice %arg5[%add3A_321] : memref<3276800xf32, #tpu.memory_space<hbm>> -> memref<10240xf32, #tpu.memory_space<hbm>>
    tpu.enqueue_dma source(%arg11 : memref<10240xf32, #tpu.memory_space<vmem>>) target(%dma_start3A_335 : memref<10240xf32, #tpu.memory_space<hbm>>) target_semaphore(%arg19 : memref<!tpu.dma_semaphore, #tpu.memory_space<semaphore_mem>>)
    %add3A_336 = arith.constant 71680 : i32
    %add3A_337 = arith.addi %mul3A_2, %add3A_336 : i32
    %dma_start3A_338 = tpu.memref_slice %arg2[%add3A_337] : memref<3276800xi32, #tpu.memory_space<hbm>> -> memref<10240xi32, #tpu.memory_space<hbm>>
    %dma_start3A_339 = tpu.memref_slice %arg2[%add3A_337] : memref<3276800xi32, #tpu.memory_space<hbm>> -> memref<10240xi32, #tpu.memory_space<hbm>>
    tpu.enqueue_dma source(%dma_start3A_339 : memref<10240xi32, #tpu.memory_space<hbm>>) target(%arg9 : memref<10240xi32, #tpu.memory_space<vmem>>) target_semaphore(%arg15 : memref<!tpu.dma_semaphore, #tpu.memory_space<semaphore_mem>>)
    %dma_wait3A_340 = tpu.memref_slice %arg3[%add3A_321] : memref<3276800xi32, #tpu.memory_space<hbm>> -> memref<10240xi32, #tpu.memory_space<hbm>>
    %dma_wait3A_341 = tpu.memref_slice %arg3[%add3A_321] : memref<3276800xi32, #tpu.memory_space<hbm>> -> memref<10240xi32, #tpu.memory_space<hbm>>
    tpu.wait_dma2 semaphore(%arg21 : memref<!tpu.dma_semaphore, #tpu.memory_space<semaphore_mem>>) src(%dma_wait3A_341 : memref<10240xi32, #tpu.memory_space<hbm>>) dst(%arg13 : memref<10240xi32, #tpu.memory_space<vmem>>)
    %dma_start3A_342 = tpu.memref_slice %arg6[%add3A_321] : memref<3276800xi32, #tpu.memory_space<hbm>> -> memref<10240xi32, #tpu.memory_space<hbm>>
    %dma_start3A_343 = tpu.memref_slice %arg6[%add3A_321] : memref<3276800xi32, #tpu.memory_space<hbm>> -> memref<10240xi32, #tpu.memory_space<hbm>>
    tpu.enqueue_dma source(%arg13 : memref<10240xi32, #tpu.memory_space<vmem>>) target(%dma_start3A_343 : memref<10240xi32, #tpu.memory_space<hbm>>) target_semaphore(%arg23 : memref<!tpu.dma_semaphore, #tpu.memory_space<semaphore_mem>>)
    %add3A_344 = arith.constant 61440 : i32
    %add3A_345 = arith.addi %mul3A_2, %add3A_344 : i32
    %dma_wait3A_346 = tpu.memref_slice %arg6[%add3A_297] : memref<3276800xi32, #tpu.memory_space<hbm>> -> memref<10240xi32, #tpu.memory_space<hbm>>
    %dma_wait3A_347 = tpu.memref_slice %arg6[%add3A_297] : memref<3276800xi32, #tpu.memory_space<hbm>> -> memref<10240xi32, #tpu.memory_space<hbm>>
    tpu.wait_dma2 semaphore(%arg22 : memref<!tpu.dma_semaphore, #tpu.memory_space<semaphore_mem>>) src(%arg12 : memref<10240xi32, #tpu.memory_space<vmem>>) dst(%dma_wait3A_347 : memref<10240xi32, #tpu.memory_space<hbm>>)
    %dma_start3A_348 = tpu.memref_slice %arg3[%add3A_345] : memref<3276800xi32, #tpu.memory_space<hbm>> -> memref<10240xi32, #tpu.memory_space<hbm>>
    %dma_start3A_349 = tpu.memref_slice %arg3[%add3A_345] : memref<3276800xi32, #tpu.memory_space<hbm>> -> memref<10240xi32, #tpu.memory_space<hbm>>
    tpu.enqueue_dma source(%dma_start3A_349 : memref<10240xi32, #tpu.memory_space<hbm>>) target(%arg12 : memref<10240xi32, #tpu.memory_space<vmem>>) target_semaphore(%arg20 : memref<!tpu.dma_semaphore, #tpu.memory_space<semaphore_mem>>)
    %dma_wait3A_350 = tpu.memref_slice %arg2[%add3A_313] : memref<3276800xi32, #tpu.memory_space<hbm>> -> memref<10240xi32, #tpu.memory_space<hbm>>
    %dma_wait3A_351 = tpu.memref_slice %arg2[%add3A_313] : memref<3276800xi32, #tpu.memory_space<hbm>> -> memref<10240xi32, #tpu.memory_space<hbm>>
    tpu.wait_dma2 semaphore(%arg14 : memref<!tpu.dma_semaphore, #tpu.memory_space<semaphore_mem>>) src(%dma_wait3A_351 : memref<10240xi32, #tpu.memory_space<hbm>>) dst(%arg8 : memref<10240xi32, #tpu.memory_space<vmem>>)
    %dma_wait3A_352 = tpu.memref_slice %arg5[%add3A_297] : memref<3276800xf32, #tpu.memory_space<hbm>> -> memref<10240xf32, #tpu.memory_space<hbm>>
    %dma_wait3A_353 = tpu.memref_slice %arg5[%add3A_297] : memref<3276800xf32, #tpu.memory_space<hbm>> -> memref<10240xf32, #tpu.memory_space<hbm>>
    tpu.wait_dma2 semaphore(%arg18 : memref<!tpu.dma_semaphore, #tpu.memory_space<semaphore_mem>>) src(%arg10 : memref<10240xf32, #tpu.memory_space<vmem>>) dst(%dma_wait3A_353 : memref<10240xf32, #tpu.memory_space<hbm>>)
    %dma_start3A_354 = arith.constant 0 : i32
    %dma_start3A_355 = tpu.memref_slice %arg7[%dma_start3A_354] : memref<1000000xf32, #tpu.memory_space<vmem_shared>> -> memref<1000000xf32, #tpu.memory_space<vmem_shared>>
    tpu.enqueue_indirect_dma source(%dma_start3A_355 : memref<1000000xf32, #tpu.memory_space<vmem_shared>>) target(%arg10 : memref<10240xf32, #tpu.memory_space<vmem>>) offsets(%arg8 : memref<10240xi32, #tpu.memory_space<vmem>>) semaphore(%arg16 : memref<!tpu.dma_semaphore, #tpu.memory_space<semaphore_mem>>)
    %dma_wait3A_356 = arith.constant 0 : i32
    %dma_wait3A_357 = tpu.memref_slice %arg7[%dma_wait3A_356] : memref<1000000xf32, #tpu.memory_space<vmem_shared>> -> memref<1000000xf32, #tpu.memory_space<vmem_shared>>
    tpu.wait_indirect_dma semaphore(%arg16 : memref<!tpu.dma_semaphore, #tpu.memory_space<semaphore_mem>>) src(%dma_wait3A_357 : memref<1000000xf32, #tpu.memory_space<vmem_shared>>) dst(%arg10 : memref<10240xf32, #tpu.memory_space<vmem>>)
    %dma_start3A_358 = tpu.memref_slice %arg5[%add3A_345] : memref<3276800xf32, #tpu.memory_space<hbm>> -> memref<10240xf32, #tpu.memory_space<hbm>>
    %dma_start3A_359 = tpu.memref_slice %arg5[%add3A_345] : memref<3276800xf32, #tpu.memory_space<hbm>> -> memref<10240xf32, #tpu.memory_space<hbm>>
    tpu.enqueue_dma source(%arg10 : memref<10240xf32, #tpu.memory_space<vmem>>) target(%dma_start3A_359 : memref<10240xf32, #tpu.memory_space<hbm>>) target_semaphore(%arg18 : memref<!tpu.dma_semaphore, #tpu.memory_space<semaphore_mem>>)
    %add3A_360 = arith.constant 81920 : i32
    %add3A_361 = arith.addi %mul3A_2, %add3A_360 : i32
    %dma_start3A_362 = tpu.memref_slice %arg2[%add3A_361] : memref<3276800xi32, #tpu.memory_space<hbm>> -> memref<10240xi32, #tpu.memory_space<hbm>>
    %dma_start3A_363 = tpu.memref_slice %arg2[%add3A_361] : memref<3276800xi32, #tpu.memory_space<hbm>> -> memref<10240xi32, #tpu.memory_space<hbm>>
    tpu.enqueue_dma source(%dma_start3A_363 : memref<10240xi32, #tpu.memory_space<hbm>>) target(%arg8 : memref<10240xi32, #tpu.memory_space<vmem>>) target_semaphore(%arg14 : memref<!tpu.dma_semaphore, #tpu.memory_space<semaphore_mem>>)
    %dma_wait3A_364 = tpu.memref_slice %arg3[%add3A_345] : memref<3276800xi32, #tpu.memory_space<hbm>> -> memref<10240xi32, #tpu.memory_space<hbm>>
    %dma_wait3A_365 = tpu.memref_slice %arg3[%add3A_345] : memref<3276800xi32, #tpu.memory_space<hbm>> -> memref<10240xi32, #tpu.memory_space<hbm>>
    tpu.wait_dma2 semaphore(%arg20 : memref<!tpu.dma_semaphore, #tpu.memory_space<semaphore_mem>>) src(%dma_wait3A_365 : memref<10240xi32, #tpu.memory_space<hbm>>) dst(%arg12 : memref<10240xi32, #tpu.memory_space<vmem>>)
    %dma_start3A_366 = tpu.memref_slice %arg6[%add3A_345] : memref<3276800xi32, #tpu.memory_space<hbm>> -> memref<10240xi32, #tpu.memory_space<hbm>>
    %dma_start3A_367 = tpu.memref_slice %arg6[%add3A_345] : memref<3276800xi32, #tpu.memory_space<hbm>> -> memref<10240xi32, #tpu.memory_space<hbm>>
    tpu.enqueue_dma source(%arg12 : memref<10240xi32, #tpu.memory_space<vmem>>) target(%dma_start3A_367 : memref<10240xi32, #tpu.memory_space<hbm>>) target_semaphore(%arg22 : memref<!tpu.dma_semaphore, #tpu.memory_space<semaphore_mem>>)
    %add3A_368 = arith.constant 71680 : i32
    %add3A_369 = arith.addi %mul3A_2, %add3A_368 : i32
    %dma_wait3A_370 = tpu.memref_slice %arg6[%add3A_321] : memref<3276800xi32, #tpu.memory_space<hbm>> -> memref<10240xi32, #tpu.memory_space<hbm>>
    %dma_wait3A_371 = tpu.memref_slice %arg6[%add3A_321] : memref<3276800xi32, #tpu.memory_space<hbm>> -> memref<10240xi32, #tpu.memory_space<hbm>>
    tpu.wait_dma2 semaphore(%arg23 : memref<!tpu.dma_semaphore, #tpu.memory_space<semaphore_mem>>) src(%arg13 : memref<10240xi32, #tpu.memory_space<vmem>>) dst(%dma_wait3A_371 : memref<10240xi32, #tpu.memory_space<hbm>>)
    %dma_start3A_372 = tpu.memref_slice %arg3[%add3A_369] : memref<3276800xi32, #tpu.memory_space<hbm>> -> memref<10240xi32, #tpu.memory_space<hbm>>
    %dma_start3A_373 = tpu.memref_slice %arg3[%add3A_369] : memref<3276800xi32, #tpu.memory_space<hbm>> -> memref<10240xi32, #tpu.memory_space<hbm>>
    tpu.enqueue_dma source(%dma_start3A_373 : memref<10240xi32, #tpu.memory_space<hbm>>) target(%arg13 : memref<10240xi32, #tpu.memory_space<vmem>>) target_semaphore(%arg21 : memref<!tpu.dma_semaphore, #tpu.memory_space<semaphore_mem>>)
    %dma_wait3A_374 = tpu.memref_slice %arg2[%add3A_337] : memref<3276800xi32, #tpu.memory_space<hbm>> -> memref<10240xi32, #tpu.memory_space<hbm>>
    %dma_wait3A_375 = tpu.memref_slice %arg2[%add3A_337] : memref<3276800xi32, #tpu.memory_space<hbm>> -> memref<10240xi32, #tpu.memory_space<hbm>>
    tpu.wait_dma2 semaphore(%arg15 : memref<!tpu.dma_semaphore, #tpu.memory_space<semaphore_mem>>) src(%dma_wait3A_375 : memref<10240xi32, #tpu.memory_space<hbm>>) dst(%arg9 : memref<10240xi32, #tpu.memory_space<vmem>>)
    %dma_wait3A_376 = tpu.memref_slice %arg5[%add3A_321] : memref<3276800xf32, #tpu.memory_space<hbm>> -> memref<10240xf32, #tpu.memory_space<hbm>>
    %dma_wait3A_377 = tpu.memref_slice %arg5[%add3A_321] : memref<3276800xf32, #tpu.memory_space<hbm>> -> memref<10240xf32, #tpu.memory_space<hbm>>
    tpu.wait_dma2 semaphore(%arg19 : memref<!tpu.dma_semaphore, #tpu.memory_space<semaphore_mem>>) src(%arg11 : memref<10240xf32, #tpu.memory_space<vmem>>) dst(%dma_wait3A_377 : memref<10240xf32, #tpu.memory_space<hbm>>)
    %dma_start3A_378 = arith.constant 0 : i32
    %dma_start3A_379 = tpu.memref_slice %arg7[%dma_start3A_378] : memref<1000000xf32, #tpu.memory_space<vmem_shared>> -> memref<1000000xf32, #tpu.memory_space<vmem_shared>>
    tpu.enqueue_indirect_dma source(%dma_start3A_379 : memref<1000000xf32, #tpu.memory_space<vmem_shared>>) target(%arg11 : memref<10240xf32, #tpu.memory_space<vmem>>) offsets(%arg9 : memref<10240xi32, #tpu.memory_space<vmem>>) semaphore(%arg17 : memref<!tpu.dma_semaphore, #tpu.memory_space<semaphore_mem>>)
    %dma_wait3A_380 = arith.constant 0 : i32
    %dma_wait3A_381 = tpu.memref_slice %arg7[%dma_wait3A_380] : memref<1000000xf32, #tpu.memory_space<vmem_shared>> -> memref<1000000xf32, #tpu.memory_space<vmem_shared>>
    tpu.wait_indirect_dma semaphore(%arg17 : memref<!tpu.dma_semaphore, #tpu.memory_space<semaphore_mem>>) src(%dma_wait3A_381 : memref<1000000xf32, #tpu.memory_space<vmem_shared>>) dst(%arg11 : memref<10240xf32, #tpu.memory_space<vmem>>)
    %dma_start3A_382 = tpu.memref_slice %arg5[%add3A_369] : memref<3276800xf32, #tpu.memory_space<hbm>> -> memref<10240xf32, #tpu.memory_space<hbm>>
    %dma_start3A_383 = tpu.memref_slice %arg5[%add3A_369] : memref<3276800xf32, #tpu.memory_space<hbm>> -> memref<10240xf32, #tpu.memory_space<hbm>>
    tpu.enqueue_dma source(%arg11 : memref<10240xf32, #tpu.memory_space<vmem>>) target(%dma_start3A_383 : memref<10240xf32, #tpu.memory_space<hbm>>) target_semaphore(%arg19 : memref<!tpu.dma_semaphore, #tpu.memory_space<semaphore_mem>>)
    %add3A_384 = arith.constant 92160 : i32
    %add3A_385 = arith.addi %mul3A_2, %add3A_384 : i32
    %dma_start3A_386 = tpu.memref_slice %arg2[%add3A_385] : memref<3276800xi32, #tpu.memory_space<hbm>> -> memref<10240xi32, #tpu.memory_space<hbm>>
    %dma_start3A_387 = tpu.memref_slice %arg2[%add3A_385] : memref<3276800xi32, #tpu.memory_space<hbm>> -> memref<10240xi32, #tpu.memory_space<hbm>>
    tpu.enqueue_dma source(%dma_start3A_387 : memref<10240xi32, #tpu.memory_space<hbm>>) target(%arg9 : memref<10240xi32, #tpu.memory_space<vmem>>) target_semaphore(%arg15 : memref<!tpu.dma_semaphore, #tpu.memory_space<semaphore_mem>>)
    %dma_wait3A_388 = tpu.memref_slice %arg3[%add3A_369] : memref<3276800xi32, #tpu.memory_space<hbm>> -> memref<10240xi32, #tpu.memory_space<hbm>>
    %dma_wait3A_389 = tpu.memref_slice %arg3[%add3A_369] : memref<3276800xi32, #tpu.memory_space<hbm>> -> memref<10240xi32, #tpu.memory_space<hbm>>
    tpu.wait_dma2 semaphore(%arg21 : memref<!tpu.dma_semaphore, #tpu.memory_space<semaphore_mem>>) src(%dma_wait3A_389 : memref<10240xi32, #tpu.memory_space<hbm>>) dst(%arg13 : memref<10240xi32, #tpu.memory_space<vmem>>)
    %dma_start3A_390 = tpu.memref_slice %arg6[%add3A_369] : memref<3276800xi32, #tpu.memory_space<hbm>> -> memref<10240xi32, #tpu.memory_space<hbm>>
    %dma_start3A_391 = tpu.memref_slice %arg6[%add3A_369] : memref<3276800xi32, #tpu.memory_space<hbm>> -> memref<10240xi32, #tpu.memory_space<hbm>>
    tpu.enqueue_dma source(%arg13 : memref<10240xi32, #tpu.memory_space<vmem>>) target(%dma_start3A_391 : memref<10240xi32, #tpu.memory_space<hbm>>) target_semaphore(%arg23 : memref<!tpu.dma_semaphore, #tpu.memory_space<semaphore_mem>>)
    %add3A_392 = arith.constant 81920 : i32
    %add3A_393 = arith.addi %mul3A_2, %add3A_392 : i32
    %dma_wait3A_394 = tpu.memref_slice %arg6[%add3A_345] : memref<3276800xi32, #tpu.memory_space<hbm>> -> memref<10240xi32, #tpu.memory_space<hbm>>
    %dma_wait3A_395 = tpu.memref_slice %arg6[%add3A_345] : memref<3276800xi32, #tpu.memory_space<hbm>> -> memref<10240xi32, #tpu.memory_space<hbm>>
    tpu.wait_dma2 semaphore(%arg22 : memref<!tpu.dma_semaphore, #tpu.memory_space<semaphore_mem>>) src(%arg12 : memref<10240xi32, #tpu.memory_space<vmem>>) dst(%dma_wait3A_395 : memref<10240xi32, #tpu.memory_space<hbm>>)
    %dma_start3A_396 = tpu.memref_slice %arg3[%add3A_393] : memref<3276800xi32, #tpu.memory_space<hbm>> -> memref<10240xi32, #tpu.memory_space<hbm>>
    %dma_start3A_397 = tpu.memref_slice %arg3[%add3A_393] : memref<3276800xi32, #tpu.memory_space<hbm>> -> memref<10240xi32, #tpu.memory_space<hbm>>
    tpu.enqueue_dma source(%dma_start3A_397 : memref<10240xi32, #tpu.memory_space<hbm>>) target(%arg12 : memref<10240xi32, #tpu.memory_space<vmem>>) target_semaphore(%arg20 : memref<!tpu.dma_semaphore, #tpu.memory_space<semaphore_mem>>)
    %dma_wait3A_398 = tpu.memref_slice %arg2[%add3A_361] : memref<3276800xi32, #tpu.memory_space<hbm>> -> memref<10240xi32, #tpu.memory_space<hbm>>
    %dma_wait3A_399 = tpu.memref_slice %arg2[%add3A_361] : memref<3276800xi32, #tpu.memory_space<hbm>> -> memref<10240xi32, #tpu.memory_space<hbm>>
    tpu.wait_dma2 semaphore(%arg14 : memref<!tpu.dma_semaphore, #tpu.memory_space<semaphore_mem>>) src(%dma_wait3A_399 : memref<10240xi32, #tpu.memory_space<hbm>>) dst(%arg8 : memref<10240xi32, #tpu.memory_space<vmem>>)
    %dma_wait3A_400 = tpu.memref_slice %arg5[%add3A_345] : memref<3276800xf32, #tpu.memory_space<hbm>> -> memref<10240xf32, #tpu.memory_space<hbm>>
    %dma_wait3A_401 = tpu.memref_slice %arg5[%add3A_345] : memref<3276800xf32, #tpu.memory_space<hbm>> -> memref<10240xf32, #tpu.memory_space<hbm>>
    tpu.wait_dma2 semaphore(%arg18 : memref<!tpu.dma_semaphore, #tpu.memory_space<semaphore_mem>>) src(%arg10 : memref<10240xf32, #tpu.memory_space<vmem>>) dst(%dma_wait3A_401 : memref<10240xf32, #tpu.memory_space<hbm>>)
    %dma_start3A_402 = arith.constant 0 : i32
    %dma_start3A_403 = tpu.memref_slice %arg7[%dma_start3A_402] : memref<1000000xf32, #tpu.memory_space<vmem_shared>> -> memref<1000000xf32, #tpu.memory_space<vmem_shared>>
    tpu.enqueue_indirect_dma source(%dma_start3A_403 : memref<1000000xf32, #tpu.memory_space<vmem_shared>>) target(%arg10 : memref<10240xf32, #tpu.memory_space<vmem>>) offsets(%arg8 : memref<10240xi32, #tpu.memory_space<vmem>>) semaphore(%arg16 : memref<!tpu.dma_semaphore, #tpu.memory_space<semaphore_mem>>)
    %dma_wait3A_404 = arith.constant 0 : i32
    %dma_wait3A_405 = tpu.memref_slice %arg7[%dma_wait3A_404] : memref<1000000xf32, #tpu.memory_space<vmem_shared>> -> memref<1000000xf32, #tpu.memory_space<vmem_shared>>
    tpu.wait_indirect_dma semaphore(%arg16 : memref<!tpu.dma_semaphore, #tpu.memory_space<semaphore_mem>>) src(%dma_wait3A_405 : memref<1000000xf32, #tpu.memory_space<vmem_shared>>) dst(%arg10 : memref<10240xf32, #tpu.memory_space<vmem>>)
    %dma_start3A_406 = tpu.memref_slice %arg5[%add3A_393] : memref<3276800xf32, #tpu.memory_space<hbm>> -> memref<10240xf32, #tpu.memory_space<hbm>>
    %dma_start3A_407 = tpu.memref_slice %arg5[%add3A_393] : memref<3276800xf32, #tpu.memory_space<hbm>> -> memref<10240xf32, #tpu.memory_space<hbm>>
    tpu.enqueue_dma source(%arg10 : memref<10240xf32, #tpu.memory_space<vmem>>) target(%dma_start3A_407 : memref<10240xf32, #tpu.memory_space<hbm>>) target_semaphore(%arg18 : memref<!tpu.dma_semaphore, #tpu.memory_space<semaphore_mem>>)
    %dma_wait3A_408 = tpu.memref_slice %arg3[%add3A_393] : memref<3276800xi32, #tpu.memory_space<hbm>> -> memref<10240xi32, #tpu.memory_space<hbm>>
    %dma_wait3A_409 = tpu.memref_slice %arg3[%add3A_393] : memref<3276800xi32, #tpu.memory_space<hbm>> -> memref<10240xi32, #tpu.memory_space<hbm>>
    tpu.wait_dma2 semaphore(%arg20 : memref<!tpu.dma_semaphore, #tpu.memory_space<semaphore_mem>>) src(%dma_wait3A_409 : memref<10240xi32, #tpu.memory_space<hbm>>) dst(%arg12 : memref<10240xi32, #tpu.memory_space<vmem>>)
    %dma_start3A_410 = tpu.memref_slice %arg6[%add3A_393] : memref<3276800xi32, #tpu.memory_space<hbm>> -> memref<10240xi32, #tpu.memory_space<hbm>>
    %dma_start3A_411 = tpu.memref_slice %arg6[%add3A_393] : memref<3276800xi32, #tpu.memory_space<hbm>> -> memref<10240xi32, #tpu.memory_space<hbm>>
    tpu.enqueue_dma source(%arg12 : memref<10240xi32, #tpu.memory_space<vmem>>) target(%dma_start3A_411 : memref<10240xi32, #tpu.memory_space<hbm>>) target_semaphore(%arg22 : memref<!tpu.dma_semaphore, #tpu.memory_space<semaphore_mem>>)
    %add3A_412 = arith.constant 92160 : i32
    %add3A_413 = arith.addi %mul3A_2, %add3A_412 : i32
    %dma_wait3A_414 = tpu.memref_slice %arg6[%add3A_369] : memref<3276800xi32, #tpu.memory_space<hbm>> -> memref<10240xi32, #tpu.memory_space<hbm>>
    %dma_wait3A_415 = tpu.memref_slice %arg6[%add3A_369] : memref<3276800xi32, #tpu.memory_space<hbm>> -> memref<10240xi32, #tpu.memory_space<hbm>>
    tpu.wait_dma2 semaphore(%arg23 : memref<!tpu.dma_semaphore, #tpu.memory_space<semaphore_mem>>) src(%arg13 : memref<10240xi32, #tpu.memory_space<vmem>>) dst(%dma_wait3A_415 : memref<10240xi32, #tpu.memory_space<hbm>>)
    %dma_start3A_416 = tpu.memref_slice %arg3[%add3A_413] : memref<3276800xi32, #tpu.memory_space<hbm>> -> memref<10240xi32, #tpu.memory_space<hbm>>
    %dma_start3A_417 = tpu.memref_slice %arg3[%add3A_413] : memref<3276800xi32, #tpu.memory_space<hbm>> -> memref<10240xi32, #tpu.memory_space<hbm>>
    tpu.enqueue_dma source(%dma_start3A_417 : memref<10240xi32, #tpu.memory_space<hbm>>) target(%arg13 : memref<10240xi32, #tpu.memory_space<vmem>>) target_semaphore(%arg21 : memref<!tpu.dma_semaphore, #tpu.memory_space<semaphore_mem>>)
    %dma_wait3A_418 = tpu.memref_slice %arg2[%add3A_385] : memref<3276800xi32, #tpu.memory_space<hbm>> -> memref<10240xi32, #tpu.memory_space<hbm>>
    %dma_wait3A_419 = tpu.memref_slice %arg2[%add3A_385] : memref<3276800xi32, #tpu.memory_space<hbm>> -> memref<10240xi32, #tpu.memory_space<hbm>>
    tpu.wait_dma2 semaphore(%arg15 : memref<!tpu.dma_semaphore, #tpu.memory_space<semaphore_mem>>) src(%dma_wait3A_419 : memref<10240xi32, #tpu.memory_space<hbm>>) dst(%arg9 : memref<10240xi32, #tpu.memory_space<vmem>>)
    %dma_wait3A_420 = tpu.memref_slice %arg5[%add3A_369] : memref<3276800xf32, #tpu.memory_space<hbm>> -> memref<10240xf32, #tpu.memory_space<hbm>>
    %dma_wait3A_421 = tpu.memref_slice %arg5[%add3A_369] : memref<3276800xf32, #tpu.memory_space<hbm>> -> memref<10240xf32, #tpu.memory_space<hbm>>
    tpu.wait_dma2 semaphore(%arg19 : memref<!tpu.dma_semaphore, #tpu.memory_space<semaphore_mem>>) src(%arg11 : memref<10240xf32, #tpu.memory_space<vmem>>) dst(%dma_wait3A_421 : memref<10240xf32, #tpu.memory_space<hbm>>)
    %dma_start3A_422 = arith.constant 0 : i32
    %dma_start3A_423 = tpu.memref_slice %arg7[%dma_start3A_422] : memref<1000000xf32, #tpu.memory_space<vmem_shared>> -> memref<1000000xf32, #tpu.memory_space<vmem_shared>>
    tpu.enqueue_indirect_dma source(%dma_start3A_423 : memref<1000000xf32, #tpu.memory_space<vmem_shared>>) target(%arg11 : memref<10240xf32, #tpu.memory_space<vmem>>) offsets(%arg9 : memref<10240xi32, #tpu.memory_space<vmem>>) semaphore(%arg17 : memref<!tpu.dma_semaphore, #tpu.memory_space<semaphore_mem>>)
    %dma_wait3A_424 = arith.constant 0 : i32
    %dma_wait3A_425 = tpu.memref_slice %arg7[%dma_wait3A_424] : memref<1000000xf32, #tpu.memory_space<vmem_shared>> -> memref<1000000xf32, #tpu.memory_space<vmem_shared>>
    tpu.wait_indirect_dma semaphore(%arg17 : memref<!tpu.dma_semaphore, #tpu.memory_space<semaphore_mem>>) src(%dma_wait3A_425 : memref<1000000xf32, #tpu.memory_space<vmem_shared>>) dst(%arg11 : memref<10240xf32, #tpu.memory_space<vmem>>)
    %dma_start3A_426 = tpu.memref_slice %arg5[%add3A_413] : memref<3276800xf32, #tpu.memory_space<hbm>> -> memref<10240xf32, #tpu.memory_space<hbm>>
    %dma_start3A_427 = tpu.memref_slice %arg5[%add3A_413] : memref<3276800xf32, #tpu.memory_space<hbm>> -> memref<10240xf32, #tpu.memory_space<hbm>>
    tpu.enqueue_dma source(%arg11 : memref<10240xf32, #tpu.memory_space<vmem>>) target(%dma_start3A_427 : memref<10240xf32, #tpu.memory_space<hbm>>) target_semaphore(%arg19 : memref<!tpu.dma_semaphore, #tpu.memory_space<semaphore_mem>>)
    %dma_wait3A_428 = tpu.memref_slice %arg3[%add3A_413] : memref<3276800xi32, #tpu.memory_space<hbm>> -> memref<10240xi32, #tpu.memory_space<hbm>>
    %dma_wait3A_429 = tpu.memref_slice %arg3[%add3A_413] : memref<3276800xi32, #tpu.memory_space<hbm>> -> memref<10240xi32, #tpu.memory_space<hbm>>
    tpu.wait_dma2 semaphore(%arg21 : memref<!tpu.dma_semaphore, #tpu.memory_space<semaphore_mem>>) src(%dma_wait3A_429 : memref<10240xi32, #tpu.memory_space<hbm>>) dst(%arg13 : memref<10240xi32, #tpu.memory_space<vmem>>)
    %dma_start3A_430 = tpu.memref_slice %arg6[%add3A_413] : memref<3276800xi32, #tpu.memory_space<hbm>> -> memref<10240xi32, #tpu.memory_space<hbm>>
    %dma_start3A_431 = tpu.memref_slice %arg6[%add3A_413] : memref<3276800xi32, #tpu.memory_space<hbm>> -> memref<10240xi32, #tpu.memory_space<hbm>>
    tpu.enqueue_dma source(%arg13 : memref<10240xi32, #tpu.memory_space<vmem>>) target(%dma_start3A_431 : memref<10240xi32, #tpu.memory_space<hbm>>) target_semaphore(%arg23 : memref<!tpu.dma_semaphore, #tpu.memory_space<semaphore_mem>>)
    %dma_wait3A_432 = tpu.memref_slice %arg5[%add3A_393] : memref<3276800xf32, #tpu.memory_space<hbm>> -> memref<10240xf32, #tpu.memory_space<hbm>>
    %dma_wait3A_433 = tpu.memref_slice %arg5[%add3A_393] : memref<3276800xf32, #tpu.memory_space<hbm>> -> memref<10240xf32, #tpu.memory_space<hbm>>
    tpu.wait_dma2 semaphore(%arg18 : memref<!tpu.dma_semaphore, #tpu.memory_space<semaphore_mem>>) src(%arg10 : memref<10240xf32, #tpu.memory_space<vmem>>) dst(%dma_wait3A_433 : memref<10240xf32, #tpu.memory_space<hbm>>)
    %dma_wait3A_434 = tpu.memref_slice %arg5[%add3A_413] : memref<3276800xf32, #tpu.memory_space<hbm>> -> memref<10240xf32, #tpu.memory_space<hbm>>
    %dma_wait3A_435 = tpu.memref_slice %arg5[%add3A_413] : memref<3276800xf32, #tpu.memory_space<hbm>> -> memref<10240xf32, #tpu.memory_space<hbm>>
    tpu.wait_dma2 semaphore(%arg19 : memref<!tpu.dma_semaphore, #tpu.memory_space<semaphore_mem>>) src(%arg11 : memref<10240xf32, #tpu.memory_space<vmem>>) dst(%dma_wait3A_435 : memref<10240xf32, #tpu.memory_space<hbm>>)
    %dma_wait3A_436 = tpu.memref_slice %arg6[%add3A_393] : memref<3276800xi32, #tpu.memory_space<hbm>> -> memref<10240xi32, #tpu.memory_space<hbm>>
    %dma_wait3A_437 = tpu.memref_slice %arg6[%add3A_393] : memref<3276800xi32, #tpu.memory_space<hbm>> -> memref<10240xi32, #tpu.memory_space<hbm>>
    tpu.wait_dma2 semaphore(%arg22 : memref<!tpu.dma_semaphore, #tpu.memory_space<semaphore_mem>>) src(%arg12 : memref<10240xi32, #tpu.memory_space<vmem>>) dst(%dma_wait3A_437 : memref<10240xi32, #tpu.memory_space<hbm>>)
    %dma_wait3A_438 = tpu.memref_slice %arg6[%add3A_413] : memref<3276800xi32, #tpu.memory_space<hbm>> -> memref<10240xi32, #tpu.memory_space<hbm>>
    %dma_wait3A_439 = tpu.memref_slice %arg6[%add3A_413] : memref<3276800xi32, #tpu.memory_space<hbm>> -> memref<10240xi32, #tpu.memory_space<hbm>>
    tpu.wait_dma2 semaphore(%arg23 : memref<!tpu.dma_semaphore, #tpu.memory_space<semaphore_mem>>) src(%arg13 : memref<10240xi32, #tpu.memory_space<vmem>>) dst(%dma_wait3A_439 : memref<10240xi32, #tpu.memory_space<hbm>>)
    return
  }
}

</mosaic_0001>

<sc_bundles>
// kernel: kernel.3.cloned.1.call-start
scs
__scs_entry_jumppad:
0x0: {  	(pc) =	sbr.rel $0x88, $3  }
0x1: {  	(tag) =	ssettag $0x0;
	lr =	simm.s32 $0x1  }
0x2: {  	[smem:$0x3F9D] =	sst lr;
	_ =	strace $0xD0000000  }
0x3: {  	_ = 	snop  }
0x4: {  	_ = 	snop  }
0x5: {  	_ = 	snop  }
0x6: {  	_ = 	snop  }
0x7: {  	_ = 	snop  }
__scs_overlays_trampoline_lowered:
0x8: {  	[smem:$0x3FAC] =	sst s0  }
0x9: {  	[smem:$0x3FAD] =	sst s1  }
0xa: {  	[smem:$0x3FAE] =	sst s2  }
0xb: {  	[smem:$0x3FAF] =	sst s3  }
0xc: {  	[smem:$0x3FB0] =	sst s4  }
0xd: {  	[smem:$0x3FB1] =	sst s5  }
0xe: {  	[smem:$0x3FB2] =	sst s6  }
0xf: {  	[smem:$0x3FB3] =	sst s7  }
0x10: {  	[smem:$0x3FB4] =	sst s8  }
0x11: {  	[smem:$0x3FB5] =	sst s9;
	s0 =	simm.s32 @!p0 $0x0  }
0x12: {  	s1 =	sld [smem:$0x3F9B];
	s0 =	simm.s32 @p0 $0x1  }
0x13: {  	[smem:$0x3FB6] =	sst s0;
	s0 =	simm.s32 @!p1 $0x0  }
0x14: {  	s2 =	sld [smem:$0x3F9A];
	s0 =	simm.s32 @p1 $0x1  }
0x15: {  	[smem:$0x3FB7] =	sst s0;
	s0 =	simm.s32 @!p2 $0x0  }
0x16: {  	s3 =	sld [smem:$0x3FDB];
	s0 =	simm.s32 @p2 $0x1  }
0x17: {  	s4 =	simm.s32 $0x1BF5;
	[smem:$0x3FB9] =	sst s0  }
0x18: {  	s0 =	sld [smem:$0x3F9C];
	_ =	swait.ge [sflag:s4], $0x0  }
0x19: {  	s7 =	sld [smem:$0x3F9D]  }
0x1a: {  	s8 =	sadd.s32 $0xFFFFE003, lr  }
0x1b: {  	s9 =	sadd.s32 $0xFFFFFEF7, lr;
	s5 =	simm.s32 $0xFFFFFFFF;
	p2 =	slt.u32 s8, $0xFFFFF086  }
0x1c: {  	p1 =	slt.u32 s9, $0xF7A;
	s5 =	simm.s32 @!p2 $0x0  }
0x1d: {  	s5 =	simm.s32 @p1 $0x1;
	p0 =	seq.s32 s7, s2  }
0x1e: {  	s7 =	smul.u32 @!p0 $0xF7A, s2;
	p2 =	seq.s32 @!p0 s5, $0x0  }
0x1f: {  	s9 =	smul.u32 $0xF7A, s1;
	s8 =	simm.s32 @!p0 $0x1BF5;
	p2 =	por !p2, p0  }
0x20: {  	[sflag:s8] =	ssyncset.s32 @!p0 $0xFFFFF086;
	s6 =	sadd.s32 @!p0 s3, s7;
	s7 =	simm.s32 @!p0 $0x108  }
0x21: {  	s3 =	sadd.s32 s3, s9;
	s6 =	sadd.s32 @!p0 $0x88, s6;
	s7 =	simm.s32 @p2 $0x1082  }
0x22: {  	[simem:s7], [sflag:s8] =	dma.local @!p0 [hbm:s6], $0xF7A  }
0x23: {  	s9 =	sor.u32 $0xD0000000, s2;
	s6 =	simm.s32 $0x108;
	_ =	swait.ge @!p0 [sflag:s8], $0x0  }
0x24: {  	s3 =	sadd.s32 $0x88, s3;
	s6 =	simm.s32 @!p1 $0x1082;
	[sflag:s4] =	ssyncset.s32 $0xFFFFF086  }
0x25: {  	[simem:s6], [sflag:s4] =	dma.local [hbm:s3], $0xF7A  }
0x26: {  	[smem:$0x3F9D] =	sst s1;
	(tag) =	ssettag s2;
	_ =	strace s9  }
0x27: {  	s1 =	sld [smem:$0x3FAD]  }
0x28: {  	s2 =	sld [smem:$0x3FAE]  }
0x29: {  	s4 =	sld [smem:$0x3FB0]  }
0x2a: {  	p0 =	seq.s32 s5, $0x0;
	s5 =	sld [smem:$0x3FB1]  }
0x2b: {  	s6 =	sld [smem:$0x3FB2]  }
0x2c: {  	s7 =	sld [smem:$0x3FB3]  }
0x2d: {  	s3 =	simm.s32 $0x108;
	s8 =	sld [smem:$0x3FB4]  }
0x2e: {  	s3 =	simm.s32 @!p0 $0x1082;
	s9 =	sld [smem:$0x3FB5]  }
0x2f: {  	lr =	sadd.s32 s0, s3;
	s0 =	sld [smem:$0x3FAC]  }
0x30: {  	s3 =	sld [smem:$0x3FAF]  }
0x31: {  	[smem:$0x3FB8] =	sst s10  }
0x32: {  	s10 =	sld [smem:$0x3FB6];
	_ =	sdelay $0x3  }
0x33: {  	p0 =	seq.s32 s10, $0x1;
	s10 =	sld [smem:$0x3FB8];
	_ =	sdelay $0x3  }
0x34: {  	[smem:$0x3FB8] =	sst s10  }
0x35: {  	s10 =	sld [smem:$0x3FB7];
	_ =	sdelay $0x3  }
0x36: {  	p1 =	seq.s32 s10, $0x1;
	s10 =	sld [smem:$0x3FB8];
	_ =	sdelay $0x3  }
0x37: {  	[smem:$0x3FB8] =	sst s10  }
0x38: {  	s10 =	sld [smem:$0x3FB9]  }
0x39: {  	_ = 	snop;
	(pc) =	sbr.ind lr, $3  }
0x3a: {  	_ = 	snop  }
0x3b: {  	_ = 	snop  }
0x3c: {  	p2 =	seq.s32 s10, $0x1;
	s10 =	sld [smem:$0x3FB8]  }
0x3d: {  	_ =	shalt  }
0x3e: {  	_ =	shalt  }
0x3f: {  	_ =	shalt  }
0x40: {  	_ =	shalt  }
0x41: {  	_ =	shalt  }
0x42: {  	_ =	shalt  }
0x43: {  	_ =	shalt  }
0x44: {  	_ =	shalt  }
0x45: {  	_ =	shalt  }
0x46: {  	_ =	shalt  }
0x47: {  	_ =	shalt  }
0x48: {  	_ =	shalt  }
0x49: {  	_ =	shalt  }
0x4a: {  	_ =	shalt  }
0x4b: {  	_ =	shalt  }
0x4c: {  	_ =	shalt  }
0x4d: {  	_ =	shalt  }
0x4e: {  	_ =	shalt  }
0x4f: {  	_ =	shalt  }
0x50: {  	_ =	shalt  }
0x51: {  	_ =	shalt  }
0x52: {  	_ =	shalt  }
0x53: {  	_ =	shalt  }
0x54: {  	_ =	shalt  }
0x55: {  	_ =	shalt  }
0x56: {  	_ =	shalt  }
0x57: {  	_ =	shalt  }
0x58: {  	_ =	shalt  }
0x59: {  	_ =	shalt  }
0x5a: {  	_ =	shalt  }
0x5b: {  	_ =	shalt  }
0x5c: {  	_ =	shalt  }
0x5d: {  	_ =	shalt  }
0x5e: {  	_ =	shalt  }
0x5f: {  	_ =	shalt  }
0x60: {  	_ =	shalt  }
0x61: {  	_ =	shalt  }
0x62: {  	_ =	shalt  }
0x63: {  	_ =	shalt  }
0x64: {  	_ =	shalt  }
0x65: {  	_ =	shalt  }
0x66: {  	_ =	shalt  }
0x67: {  	_ =	shalt  }
0x68: {  	_ =	shalt  }
0x69: {  	_ =	shalt  }
0x6a: {  	_ =	shalt  }
0x6b: {  	_ =	shalt  }
0x6c: {  	_ =	shalt  }
0x6d: {  	_ =	shalt  }
0x6e: {  	_ =	shalt  }
0x6f: {  	_ =	shalt  }
0x70: {  	_ =	shalt  }
0x71: {  	_ =	shalt  }
0x72: {  	_ =	shalt  }
0x73: {  	_ =	shalt  }
0x74: {  	_ =	shalt  }
0x75: {  	_ =	shalt  }
0x76: {  	_ =	shalt  }
0x77: {  	_ =	shalt  }
0x78: {  	_ =	shalt  }
0x79: {  	_ =	shalt  }
0x7a: {  	_ =	shalt  }
0x7b: {  	_ =	shalt  }
0x7c: {  	_ =	shalt  }
0x7d: {  	_ =	shalt  }
0x7e: {  	_ =	shalt  }
0x7f: {  	_ =	shalt  }
0x80: {  	_ =	shalt  }
0x81: {  	_ =	shalt  }
0x82: {  	_ =	shalt  }
0x83: {  	_ =	shalt  }
0x84: {  	_ =	shalt  }
0x85: {  	_ =	shalt  }
0x86: {  	_ =	shalt  }
0x87: {  	_ =	shalt  }
.Lfunc_end0:
.L_simem_size_0:
called_computation_lowered:
.L_overlay_start_0:
0x88: {  	s2 =	sld [smem:$0x3FD9]  }
0x89: {  	s3 =	sld [smem:$0x3FFE];
	_ =	sdelay $0x1  }
0x8a: {  	s1 =	srdreg.scid  }
0x8b: {  	s0 =	sand.u32 $0x1, s1  }
0x8c: {  	s15 =	sshll.u32 s0, $0xA;
	s2 =	sadd.s32 s3, s2  }
0x8d: {  	s2 =	sadd.s32 s2, s15  }
0x8e: {  	[smem:$0x3FC4] =	sst s2  }
0x8f: {  	_ = 	snop  }
0x90: {  	s2 =	sld [smem:$0x3FD0]  }
0x91: {  	s16 =	sld [smem:$0x3FC9]  }
0x92: {  	s4 =	sld [smem:$0x3FC8]  }
0x93: {  	s6 =	simm.s32 $0xA;
	s7 =	simm.s32 $0x10;
	s5 =	sld [smem:$0x3FC6]  }
0x94: {  	[smem:s7], [sflag:s6] =	dma.local [hbm:s2], $0x1  }
0x95: {  	_ =	swait.eq [sflag:s6], $0x1  }
0x96: {  	[sflag:s6] =	ssyncset.done $0x0  }
0x97: {  	s17 =	sld [smem:$0x10];
	[sflag:s6] =	ssyncadd.s32 $0xFFFFFFFF  }
0x98: {  	s18 =	sld [smem:$0x11];
	(tm) =	ssettm $0x1  }
0x99: {  	s19 =	sld [smem:$0x3FFB];
	_ =	sdelay $0x3  }
0x9a: {  	_ =	strace s19  }
0x9b: {  	s7 =	sld [smem:$0x3FFC];
	_ =	sdelay $0x3  }
0x9c: {  	_ =	strace s7  }
0x9d: {  	s7 =	sld [smem:$0x3FFD];
	_ =	sdelay $0x3  }
0x9e: {  	_ =	strace s7  }
0x9f: {  	_ =	strace $0x8FFFFFFF  }
0xa0: {  	s20 =	sld [smem:$0x3FDB];
	_ =	sdelay $0x1  }
0xa1: {  	s8 =	simm.s32 $_scs_section_size  }
0xa2: {  	s9 =	simm.s32 $_size__tile_overlayer_lowered;
	s10 =	simm.s32 $_tile_overlayer_lowered  }
0xa3: {  	s23 =	simm.s32 $0x1BFF;
	s22 =	sshll.u32 s10, $0x1;
	s7 =	sadd.s32 s8, s20  }
0xa4: {  	s11 =	simm.s32 $0x0;
	s21 =	sshll.u32 s9, $0x1;
	s9 =	sadd.s32 s22, s7  }
0xa5: {  	[timem:s11], [sflag:s23] =	dma.local [hbm:s9], s21  }
0xa6: {  	_ =	swait.ge [sflag:s23], s21  }
0xa7: {  	s8 =	ssub.s32 $0x0, s21;
	[sflag:s23] =	ssyncset.done $0x0  }
0xa8: {  	[sflag:s23] =	ssyncadd.s32 s8;
	_ =	sdelay $0x1  }
0xa9: {  	s24 =	simm.s32 $0x1B8B  }
0xaa: {  	_ =	swait.ge [sflag:s24], $0x1  }
0xab: {  	[sflag:s24] =	ssyncset.done $0x0  }
0xac: {  	s25 =	simm.s32 $0x1B8E;
	[sflag:s24] =	ssyncadd.s32 $0xFFFFFFFF  }
0xad: {  	s26 =	simm.s32 $execute0_lowered;
	[smem:$0x3FD2] =	sst s25  }
0xae: {  	s8 =	sshll.u32 s26, $0x1;
	_ =	strace $0x80000046;
	[dreg:$0x1] =	wrdreg $0xFFFFFFFF  }
0xaf: {  	s28 =	simm.s32 $_size_execute0_lowered;
	s7 =	sadd.s32 s7, s8;
	[dreg:$0x0] =	wrdreg $0x0  }
0xb0: {  	s8 =	sshll.u32 s28, $0x1;
	[dreg:$0x2] =	wrdreg s7  }
0xb1: {  	[dreg:$0x3] =	wrdreg s8  }
0xb2: {  	[dreg:$0x4] =	wrdreg $0xC0  }
0xb3: {  	_ =	task [dreg:s11], $0x5FFFF  }
0xb4: {  	[dreg:$0x1] =	wrdreg $0xFFFFFFFF  }
0xb5: {  	[dreg:$0x0] =	wrdreg $0x60  }
0xb6: {  	[dreg:$0x2] =	wrdreg s16  }
0xb7: {  	[dreg:$0x3] =	wrdreg s4  }
0xb8: {  	[dreg:$0x4] =	wrdreg s5  }
0xb9: {  	[dreg:$0x5] =	wrdreg s17  }
0xba: {  	[dreg:$0x6] =	wrdreg s18  }
0xbb: {  	[dreg:$0x7] =	wrdreg $0x0  }
0xbc: {  	[dreg:$0x8] =	wrdreg $0x9  }
0xbd: {  	_ =	task.clear_ibuf [dreg:s11], $0x9FFFF;
	_ =	strace $0x90000046  }
0xbe: {  	s29 =	simm.s32 $0x9;
	_ =	strace $0x80000048  }
0xbf: {  	_ =	swait.ge [sflag:s29], $0x1  }
0xc0: {  	[sflag:s29] =	ssyncadd.s32 $0xFFFFFFFF  }
0xc1: {  	_ =	strace $0x90000048  }
0xc2: {  	_ =	sfence  }
0xc3: {  	s30 =	sld [smem:$0x0];
	_ =	sdelay $0x2  }
0xc4: {  	s31 =	sshll.u32 s1, $0xD;
	s1 =	sshrl.u32 s1, $0x2  }
0xc5: {  	s3 =	sand.u32 $0x4000, s31;
	s1 =	sadd.s32 s1, s30  }
0xc6: {  	s0 =	sor.u32 s3, s0;
	s1 =	sshll.u32 s1, $0x11  }
0xc7: {  	s0 =	sor.u32 s1, s0  }
0xc8: {  	s0 =	sadd.s32 $0x8F2B, s0  }
0xc9: {  	[sflag:s0] =	ssyncadd.remote.s32 $0x1  }
0xca: {  	_ =	sfence.sel $0xFFFF  }
0xcb: {  	[dreg:$0x0] =	wrdreg $0xFFFFFFFF;
	(pc) =	sbr.abs _section_cstart, $3  }
0xcc: {  	[dreg:$0x1] =	wrdreg $0xFFFFFFFF  }
0xcd: {  	_ =	task.clear_ibuf [dreg:s11], $0x2FFFF;
	_ =	strace $0x9FFFFFFF  }
0xce: {  	(tm) =	ssettm $0x7FFFFFFF  }
0xcf: {  	_ =	shalt  }
tec
execute0_lowered:
.L_overlay_start_1:
0x0: {  	(tag) =	ssettag $0x1  }
0x1: {  	s5 =	rddreg [dreg:$0x0]  }
0x2: {  	s1 =	rddreg [dreg:$0x1]  }
0x3: {  	s0 =	rddreg [dreg:$0x2]  }
0x4: {  	s4 =	rddreg [dreg:$0x3];
	s2 =	srdreg.scid  }
0x5: {  	s9 =	stileid.u32;
	s6 =	rddreg [dreg:$0x4]  }
0x6: {  	s7 =	sand.u32 $0x1, s2;
	s20 =	sshll.u32 s9, $0x1;
	s9 =	smul.u32 $0xF428, s9  }
0x7: {  	s3 =	rddreg [dreg:$0x5];
	s2 =	simm.s32 $0x0;
	s8 =	sor.u32 s7, s20  }
0x8: {  	[smem:$0x7FF] =	sst s2;
	s8 =	smul.u32 $0x19000, s8;
	s9 =	smin.u32 s9, $0xE4E18  }
0x9: {  	_ =	strace $0x80000047;
	s12 =	sshrl.u32 s9, $0x3;
	s23 =	sadd.s32 $0x2800, s9  }
0xa: {  	s24 =	sadd.s32 s9, s3;
	s26 =	sadd.s32 $0x5000, s9;
	s16 =	sadd.s32 $0x7800, s9  }
0xb: {  	s20 =	sadd.s32 $0xA000, s9;
	s22 =	sadd.s32 s0, s12;
	[dreg:$0xa] =	wrdreg s24  }
0xc: {  	s8 =	sshrl.u32 s8, $0x3;
	s12 =	sadd.s32 s23, s3;
	[dreg:$0x9] =	wrdreg s22  }
0xd: {  	s13 =	sshrl.u32 s23, $0x3;
	s17 =	sadd.s32 s26, s3;
	[dreg:$0xc] =	wrdreg s12  }
0xe: {  	s14 =	sshrl.u32 s26, $0x3;
	s10 =	sadd.s32 s5, s8;
	[dreg:$0xe] =	wrdreg s17  }
0xf: {  	s18 =	sshrl.u32 s16, $0x3;
	s25 =	sadd.s32 s0, s13;
	[dreg:$0x7] =	wrdreg s10  }
0x10: {  	s24 =	sadd.s32 $0xC800, s9;
	s15 =	sadd.s32 s0, s14;
	[dreg:$0xb] =	wrdreg s25  }
0x11: {  	s9 =	sadd.s32 $0xF000, s9;
	s19 =	sadd.s32 s0, s18;
	[dreg:$0xd] =	wrdreg s15  }
0x12: {  	s17 =	sadd.s32 s9, s3;
	[dreg:$0xf] =	wrdreg s19  }
0x13: {  	s11 =	sadd.s32 $0x500, s8;
	s18 =	sadd.s32 s1, s8;
	[dreg:$0x16] =	wrdreg s17  }
0x14: {  	s22 =	sshrl.u32 s20, $0x3;
	s21 =	sadd.s32 s5, s11;
	[dreg:$0x17] =	wrdreg s18  }
0x15: {  	s23 =	sadd.s32 s0, s22;
	[dreg:$0x8] =	wrdreg s21  }
0x16: {  	s26 =	sshrl.u32 s24, $0x3;
	s25 =	sadd.s32 s20, s3;
	[dreg:$0x11] =	wrdreg s23  }
0x17: {  	s14 =	sadd.s32 s0, s26;
	[dreg:$0x12] =	wrdreg s25  }
0x18: {  	s15 =	sadd.s32 s24, s3;
	[dreg:$0x13] =	wrdreg s14  }
0x19: {  	s19 =	sadd.s32 s4, s8;
	[dreg:$0x14] =	wrdreg s15  }
0x1a: {  	s22 =	sadd.s32 s6, s8;
	[dreg:$0x18] =	wrdreg s19  }
0x1b: {  	s24 =	sadd.s32 s4, s11;
	[dreg:$0x1a] =	wrdreg s22  }
0x1c: {  	s12 =	sadd.s32 s6, s11;
	[dreg:$0x1c] =	wrdreg s24  }
0x1d: {  	s21 =	sadd.s32 s16, s3;
	[dreg:$0x1e] =	wrdreg s12  }
0x1e: {  	s20 =	sadd.s32 $0xA00, s8;
	s23 =	sadd.s32 s1, s11;
	[dreg:$0x10] =	wrdreg s21  }
0x1f: {  	s13 =	sadd.s32 s1, s20;
	[dreg:$0x1b] =	wrdreg s23  }
0x20: {  	s14 =	sadd.s32 s4, s20;
	[dreg:$0x1f] =	wrdreg s13  }
0x21: {  	s16 =	sshrl.u32 s9, $0x3;
	s17 =	sadd.s32 s6, s20;
	[smem:$0x7EB] =	sst s14  }
0x22: {  	s0 =	sadd.s32 s0, s16;
	[smem:$0x7ED] =	sst s17  }
0x23: {  	s25 =	sadd.s32 $0xF00, s8;
	s21 =	sadd.s32 s5, s20;
	[dreg:$0x15] =	wrdreg s0  }
0x24: {  	s15 =	sadd.s32 $0x1400, s8;
	s26 =	sadd.s32 s5, s25;
	[dreg:$0x19] =	wrdreg s21  }
0x25: {  	s16 =	sadd.s32 s5, s15;
	[dreg:$0x1d] =	wrdreg s26  }
0x26: {  	s18 =	sadd.s32 s1, s25;
	[smem:$0x7EC] =	sst s16  }
0x27: {  	s30 =	simm.s32 $0x1;
	s19 =	sadd.s32 s4, s25;
	[smem:$0x7EE] =	sst s18  }
0x28: {  	p0 =	por $0x0, $0x0;
	s22 =	sadd.s32 s6, s25;
	[smem:$0x7EF] =	sst s19  }
0x29: {  	s29 =	simm.s32 $0x7;
	s23 =	sadd.s32 s1, s15;
	[smem:$0x7F1] =	sst s22  }
0x2a: {  	s7 =	ssub.s32 $0x2, s7;
	s24 =	sadd.s32 s4, s15;
	[smem:$0x7F2] =	sst s23  }
0x2b: {  	s10 =	simm.s32 $0x11C28;
	s11 =	sadd.s32 s6, s15;
	[smem:$0x7F3] =	sst s24  }
0x2c: {  	s9 =	simm.s32 $0x16C28;
	s20 =	sadd.s32 $0x1900, s8;
	[smem:$0x7F5] =	sst s11  }
0x2d: {  	s25 =	sadd.s32 $0x1E00, s8;
	s21 =	sadd.s32 s5, s20;
	s0 =	rddreg [dreg:$0x7]  }
0x2e: {  	s14 =	sadd.s32 $0x2300, s8;
	s26 =	sadd.s32 s5, s25;
	[smem:$0x7F0] =	sst s21  }
0x2f: {  	s12 =	sadd.s32 s1, s20;
	s13 =	sadd.s32 s4, s20;
	[smem:$0x7F4] =	sst s26  }
0x30: {  	s15 =	sadd.s32 s5, s14;
	s16 =	sadd.s32 s6, s20;
	[smem:$0x7F6] =	sst s12  }
0x31: {  	s17 =	sadd.s32 s1, s25;
	s18 =	sadd.s32 s4, s25;
	[smem:$0x7F7] =	sst s13  }
0x32: {  	s19 =	sadd.s32 $0x2800, s8;
	s22 =	sadd.s32 s6, s25;
	[smem:$0x7F8] =	sst s15  }
0x33: {  	s28 =	sadd.s32 s1, s14;
	s23 =	sadd.s32 $0x2D00, s8;
	[smem:$0x7F9] =	sst s16  }
0x34: {  	s25 =	sadd.s32 s6, s14;
	s11 =	simm.s32 $0x9;
	[smem:$0x7FA] =	sst s17  }
0x35: {  	s8 =	simm.s32 $0xA;
	[smem:$0x7FB] =	sst s18;
	s20 =	sadd.s32 s5, s19  }
0x36: {  	s21 =	sshrl.u32 s7, $0x1;
	[smem:$0x7FD] =	sst s22;
	s26 =	sadd.s32 s4, s14  }
0x37: {  	s5 =	sadd.s32 s5, s23;
	s16 =	sadd.s32 s4, s19;
	s7 =	ssub.s32 s7, s21  }
0x38: {  	s14 =	sadd.s32 s6, s19;
	s13 =	sadd.s32 s1, s23;
	s24 =	smax.u32 s7, $0x1  }
0x39: {  	s4 =	sadd.s32 s4, s23;
	s31 =	sadd.s32 s6, s23;
	p1 =	sne.s32 s24, $0x1  }
.Ltmp0:
0x3a: {  	s22 =	simm.s32 $0x3;
	s12 =	simm.s32 $0x4;
	(pc) =	sbr.rel @!p1 .LBB2_4-.Ltmp0, $4  }
0x3b: {  	s6 =	simm.s32 $0x6;
	s23 =	simm.s32 $0x19428;
	s17 =	simm.s32 $0x2800  }
0x3c: {  	s15 =	simm.s32 $0x1BC28;
	s18 =	simm.s32 $0x8;
	[smem:$0x7FC] =	sst s20  }
0x3d: {  	s20 =	sadd.s32 s1, s19;
	s21 =	simm.s32 $0xF428;
	s19 =	simm.s32 $0x14428  }
0x3e: {  	s7 =	simm.s32 $0x5;
	s1 =	sadd.s32 $0xFFFFFFFF, s24;
	s24 =	simm.s32 $0x2  }
0x3f: {  	[smem:$0x7E8] =	sst s1  }
0x40: {  	[tilespmem:s21], [sflag:$0x1] =	stream.linear.gather [hbm4b:s0+s2], $0x2800, $0x38;
	[tilespmem:$0x1E428] =	vst v63  }
0x41: {  	s1 =	rddreg [dreg:$0x8]  }
0x42: {  	[tilespmem:s10], [sflag:$0x2] =	stream.linear.gather [hbm4b:s1+s2], $0x2800, $0x38;
	[tilespmem:$0x1E428] =	vst v63  }
0x43: {  	s0 =	rddreg [dreg:$0x9]  }
0x44: {  	[tilespmem:s19], [sflag:$0x3] =	stream.linear.gather [hbm4b:s0+s2], $0x2800, $0x38;
	[tilespmem:$0x1E428] =	vst v63  }
0x45: {  	_ =	swait.ge [sflag:s22], $0x2800  }
0x46: {  	[sflag:s22] =	ssyncset.done $0x0  }
0x47: {  	s0 =	rddreg [dreg:$0xa];
	[sflag:s22] =	ssyncadd.s32 $0xFFFFD800  }
0x48: {  	[spmem:s0] =	stream.linear.scatter [tilespmem:s19], [sflag:$0x5], $0x2800, $0x38;
	[tilespmem:$0x1E428] =	vst v63  }
0x49: {  	s1 =	rddreg [dreg:$0xb]  }
0x4a: {  	[tilespmem:s9], [sflag:$0x4] =	stream.linear.gather [hbm4b:s1+s2], $0x2800, $0x38;
	[tilespmem:$0x1E428] =	vst v63  }
0x4b: {  	_ =	swait.ge [sflag:s12], $0x2800  }
0x4c: {  	[sflag:s12] =	ssyncset.done $0x0  }
0x4d: {  	s1 =	rddreg [dreg:$0xc];
	[sflag:s12] =	ssyncadd.s32 $0xFFFFD800  }
0x4e: {  	[spmem:s1] =	stream.linear.scatter [tilespmem:s9], [sflag:$0x6], $0x2800, $0x38;
	[tilespmem:$0x1E428] =	vst v63  }
0x4f: {  	_ =	swait.ge [sflag:s7], $0x2800  }
0x50: {  	[sflag:s7] =	ssyncset.done $0x0  }
0x51: {  	s1 =	rddreg [dreg:$0xd];
	[sflag:s7] =	ssyncadd.s32 $0xFFFFD800  }
0x52: {  	[tilespmem:s19], [sflag:$0x3] =	stream.linear.gather [hbm4b:s1+s2], $0x2800, $0x38;
	[tilespmem:$0x1E428] =	vst v63  }
0x53: {  	_ =	swait.ge [sflag:s22], $0x2800  }
0x54: {  	[sflag:s22] =	ssyncset.done $0x0  }
0x55: {  	s1 =	rddreg [dreg:$0xe];
	[sflag:s22] =	ssyncadd.s32 $0xFFFFD800  }
0x56: {  	[spmem:s1] =	stream.linear.scatter [tilespmem:s19], [sflag:$0x5], $0x2800, $0x38;
	[tilespmem:$0x1E428] =	vst v63  }
0x57: {  	_ =	swait.ge [sflag:s6], $0x2800  }
0x58: {  	[sflag:s6] =	ssyncset.done $0x0  }
0x59: {  	s1 =	rddreg [dreg:$0xf];
	[sflag:s6] =	ssyncadd.s32 $0xFFFFD800  }
0x5a: {  	[tilespmem:s9], [sflag:$0x4] =	stream.linear.gather [hbm4b:s1+s2], $0x2800, $0x38;
	[tilespmem:$0x1E428] =	vst v63  }
0x5b: {  	_ =	swait.ge [sflag:s12], $0x2800  }
0x5c: {  	[sflag:s12] =	ssyncset.done $0x0  }
0x5d: {  	s1 =	rddreg [dreg:$0x10];
	[sflag:s12] =	ssyncadd.s32 $0xFFFFD800  }
0x5e: {  	[spmem:s1] =	stream.linear.scatter [tilespmem:s9], [sflag:$0x6], $0x2800, $0x38;
	[tilespmem:$0x1E428] =	vst v63  }
0x5f: {  	_ =	swait.ge [sflag:s7], $0x2800  }
0x60: {  	[sflag:s7] =	ssyncset.done $0x0  }
0x61: {  	s1 =	rddreg [dreg:$0x11];
	[sflag:s7] =	ssyncadd.s32 $0xFFFFD800  }
0x62: {  	[tilespmem:s19], [sflag:$0x3] =	stream.linear.gather [hbm4b:s1+s2], $0x2800, $0x38;
	[tilespmem:$0x1E428] =	vst v63  }
0x63: {  	_ =	swait.ge [sflag:s22], $0x2800  }
0x64: {  	[sflag:s22] =	ssyncset.done $0x0  }
0x65: {  	s1 =	rddreg [dreg:$0x12];
	[sflag:s22] =	ssyncadd.s32 $0xFFFFD800  }
0x66: {  	[spmem:s1] =	stream.linear.scatter [tilespmem:s19], [sflag:$0x5], $0x2800, $0x38;
	[tilespmem:$0x1E428] =	vst v63  }
0x67: {  	_ =	swait.ge [sflag:s6], $0x2800  }
0x68: {  	[sflag:s6] =	ssyncset.done $0x0  }
0x69: {  	s1 =	rddreg [dreg:$0x13];
	[sflag:s6] =	ssyncadd.s32 $0xFFFFD800  }
0x6a: {  	[tilespmem:s9], [sflag:$0x4] =	stream.linear.gather [hbm4b:s1+s2], $0x2800, $0x38;
	[tilespmem:$0x1E428] =	vst v63  }
0x6b: {  	_ =	swait.ge [sflag:s12], $0x2800  }
0x6c: {  	[sflag:s12] =	ssyncset.done $0x0  }
0x6d: {  	s1 =	rddreg [dreg:$0x14];
	[sflag:s12] =	ssyncadd.s32 $0xFFFFD800  }
0x6e: {  	[spmem:s1] =	stream.linear.scatter [tilespmem:s9], [sflag:$0x6], $0x2800, $0x38;
	[tilespmem:$0x1E428] =	vst v63  }
0x6f: {  	_ =	swait.ge [sflag:s7], $0x2800  }
0x70: {  	[sflag:s7] =	ssyncset.done $0x0  }
0x71: {  	s1 =	rddreg [dreg:$0x15];
	[sflag:s7] =	ssyncadd.s32 $0xFFFFD800  }
0x72: {  	[tilespmem:s19], [sflag:$0x3] =	stream.linear.gather [hbm4b:s1+s2], $0x428, $0x38;
	[tilespmem:$0x1E428] =	vst v63  }
0x73: {  	_ =	swait.ge [sflag:s22], $0x428  }
0x74: {  	[sflag:s22] =	ssyncset.done $0x0  }
0x75: {  	s1 =	rddreg [dreg:$0x16];
	[sflag:s22] =	ssyncadd.s32 $0xFFFFFBD8  }
0x76: {  	[spmem:s1] =	stream.linear.scatter [tilespmem:s19], [sflag:$0x5], $0x428, $0x38;
	[tilespmem:$0x1E428] =	vst v63  }
0x77: {  	_ =	swait.ge [sflag:s7], $0x428  }
0x78: {  	[sflag:s7] =	ssyncset.done $0x0  }
0x79: {  	[sflag:s7] =	ssyncadd.s32 $0xFFFFFBD8  }
0x7a: {  	_ =	swait.ge [sflag:s6], $0x2800  }
0x7b: {  	[sflag:s6] =	ssyncset.done $0x0  }
0x7c: {  	[sflag:s6] =	ssyncadd.s32 $0xFFFFD800  }
0x7d: {  	[bflag:$0x0] =	sbarrier.arrive $0xFFFF  }
0x7e: {  	s1 =	rddreg [dreg:$0x17]  }
0x7f: {  	[tilespmem:s23], [sflag:$0x7] =	stream.linear.gather [hbm4b:s1+s2], $0x2800, $0x38;
	[tilespmem:$0x1E428] =	vst v63  }
0x80: {  	_ =	swait.ge [sflag:s30], $0x2800  }
0x81: {  	[sflag:s30] =	ssyncset.done $0x0  }
0x82: {  	[sflag:s30] =	ssyncadd.s32 $0xFFFFD800  }
0x83: {  	[tilespmem:s19], [sflag:$0x3] =	stream.indirect.gather [spmem:s3], $0x1, s21, s17, $0xb8;
	[tilespmem:$0x1E428] =	vst v63  }
0x84: {  	_ =	swait.ge [sflag:s22], $0x2800  }
0x85: {  	[sflag:s22] =	ssyncset.done $0x0  }
0x86: {  	s0 =	rddreg [dreg:$0x18];
	[sflag:s22] =	ssyncadd.s32 $0xFFFFD800  }
0x87: {  	[hbm4b:s0+s2] =	stream.linear.scatter [tilespmem:s19], [sflag:$0x5], $0x2800, $0x38;
	[tilespmem:$0x1E428] =	vst v63  }
0x88: {  	s1 =	rddreg [dreg:$0x19]  }
0x89: {  	[tilespmem:s21], [sflag:$0x1] =	stream.linear.gather [hbm4b:s1+s2], $0x2800, $0x38;
	[tilespmem:$0x1E428] =	vst v63  }
0x8a: {  	_ =	swait.ge [sflag:s29], $0x2800  }
0x8b: {  	[sflag:s29] =	ssyncset.done $0x0  }
0x8c: {  	s0 =	rddreg [dreg:$0x1a];
	[sflag:s29] =	ssyncadd.s32 $0xFFFFD800  }
0x8d: {  	[hbm4b:s0+s2] =	stream.linear.scatter [tilespmem:s23], [sflag:$0x9], $0x2800, $0x38;
	[tilespmem:$0x1E428] =	vst v63  }
0x8e: {  	s1 =	rddreg [dreg:$0x1b]  }
0x8f: {  	[tilespmem:s15], [sflag:$0x8] =	stream.linear.gather [hbm4b:s1+s2], $0x2800, $0x38;
	[tilespmem:$0x1E428] =	vst v63  }
0x90: {  	_ =	swait.ge [sflag:s24], $0x2800  }
0x91: {  	[sflag:s24] =	ssyncset.done $0x0  }
0x92: {  	[sflag:s24] =	ssyncadd.s32 $0xFFFFD800  }
0x93: {  	[tilespmem:s9], [sflag:$0x4] =	stream.indirect.gather [spmem:s3], $0x1, s10, s17, $0xb8;
	[tilespmem:$0x1E428] =	vst v63  }
0x94: {  	_ =	swait.ge [sflag:s12], $0x2800  }
0x95: {  	[sflag:s12] =	ssyncset.done $0x0  }
0x96: {  	s0 =	rddreg [dreg:$0x1c];
	[sflag:s12] =	ssyncadd.s32 $0xFFFFD800  }
0x97: {  	[hbm4b:s0+s2] =	stream.linear.scatter [tilespmem:s9], [sflag:$0x6], $0x2800, $0x38;
	[tilespmem:$0x1E428] =	vst v63  }
0x98: {  	s1 =	rddreg [dreg:$0x1d]  }
0x99: {  	[tilespmem:s10], [sflag:$0x2] =	stream.linear.gather [hbm4b:s1+s2], $0x2800, $0x38;
	[tilespmem:$0x1E428] =	vst v63  }
0x9a: {  	_ =	swait.ge [sflag:s18], $0x2800  }
0x9b: {  	[sflag:s18] =	ssyncset.done $0x0  }
0x9c: {  	s1 =	rddreg [dreg:$0x1e];
	[sflag:s18] =	ssyncadd.s32 $0xFFFFD800  }
0x9d: {  	[hbm4b:s1+s2] =	stream.linear.scatter [tilespmem:s15], [sflag:$0xA], $0x2800, $0x38;
	[tilespmem:$0x1E428] =	vst v63  }
0x9e: {  	_ =	swait.ge [sflag:s11], $0x2800  }
0x9f: {  	[sflag:s11] =	ssyncset.done $0x0  }
0xa0: {  	s1 =	rddreg [dreg:$0x1f];
	[sflag:s11] =	ssyncadd.s32 $0xFFFFD800  }
0xa1: {  	[tilespmem:s23], [sflag:$0x7] =	stream.linear.gather [hbm4b:s1+s2], $0x2800, $0x38;
	[tilespmem:$0x1E428] =	vst v63  }
0xa2: {  	_ =	swait.ge [sflag:s30], $0x2800  }
0xa3: {  	[sflag:s30] =	ssyncset.done $0x0  }
0xa4: {  	[sflag:s30] =	ssyncadd.s32 $0xFFFFD800  }
0xa5: {  	_ =	swait.ge [sflag:s7], $0x2800  }
0xa6: {  	[sflag:s7] =	ssyncset.done $0x0  }
0xa7: {  	[sflag:s7] =	ssyncadd.s32 $0xFFFFD800  }
0xa8: {  	[tilespmem:s19], [sflag:$0x3] =	stream.indirect.gather [spmem:s3], $0x1, s21, s17, $0xb8;
	[tilespmem:$0x1E428] =	vst v63  }
0xa9: {  	_ =	swait.ge [sflag:s22], $0x2800  }
0xaa: {  	s0 =	sld [smem:$0x7EB]  }
0xab: {  	[sflag:s22] =	ssyncset.done $0x0  }
0xac: {  	s1 =	sld [smem:$0x7EC];
	[sflag:s22] =	ssyncadd.s32 $0xFFFFD800  }
0xad: {  	[hbm4b:s0+s2] =	stream.linear.scatter [tilespmem:s19], [sflag:$0x5], $0x2800, $0x38;
	[tilespmem:$0x1E428] =	vst v63  }
0xae: {  	_ = 	snop  }
0xaf: {  	[tilespmem:s21], [sflag:$0x1] =	stream.linear.gather [hbm4b:s1+s2], $0x2800, $0x38;
	[tilespmem:$0x1E428] =	vst v63  }
0xb0: {  	_ =	swait.ge [sflag:s29], $0x2800  }
0xb1: {  	s1 =	sld [smem:$0x7ED]  }
0xb2: {  	[sflag:s29] =	ssyncset.done $0x0  }
0xb3: {  	[sflag:s29] =	ssyncadd.s32 $0xFFFFD800  }
0xb4: {  	[hbm4b:s1+s2] =	stream.linear.scatter [tilespmem:s23], [sflag:$0x9], $0x2800, $0x38;
	[tilespmem:$0x1E428] =	vst v63  }
0xb5: {  	_ =	swait.ge [sflag:s8], $0x2800  }
0xb6: {  	s1 =	sld [smem:$0x7EE]  }
0xb7: {  	[sflag:s8] =	ssyncset.done $0x0  }
0xb8: {  	[sflag:s8] =	ssyncadd.s32 $0xFFFFD800  }
0xb9: {  	[tilespmem:s15], [sflag:$0x8] =	stream.linear.gather [hbm4b:s1+s2], $0x2800, $0x38;
	[tilespmem:$0x1E428] =	vst v63  }
0xba: {  	_ =	swait.ge [sflag:s24], $0x2800  }
0xbb: {  	[sflag:s24] =	ssyncset.done $0x0  }
0xbc: {  	[sflag:s24] =	ssyncadd.s32 $0xFFFFD800  }
0xbd: {  	_ =	swait.ge [sflag:s6], $0x2800  }
0xbe: {  	[sflag:s6] =	ssyncset.done $0x0  }
0xbf: {  	[sflag:s6] =	ssyncadd.s32 $0xFFFFD800  }
0xc0: {  	[tilespmem:s9], [sflag:$0x4] =	stream.indirect.gather [spmem:s3], $0x1, s10, s17, $0xb8;
	[tilespmem:$0x1E428] =	vst v63  }
0xc1: {  	_ =	swait.ge [sflag:s12], $0x2800  }
0xc2: {  	s0 =	sld [smem:$0x7EF]  }
0xc3: {  	[sflag:s12] =	ssyncset.done $0x0  }
0xc4: {  	s1 =	sld [smem:$0x7F0];
	[sflag:s12] =	ssyncadd.s32 $0xFFFFD800  }
0xc5: {  	[hbm4b:s0+s2] =	stream.linear.scatter [tilespmem:s9], [sflag:$0x6], $0x2800, $0x38;
	[tilespmem:$0x1E428] =	vst v63  }
0xc6: {  	_ = 	snop  }
0xc7: {  	[tilespmem:s10], [sflag:$0x2] =	stream.linear.gather [hbm4b:s1+s2], $0x2800, $0x38;
	[tilespmem:$0x1E428] =	vst v63  }
0xc8: {  	_ =	swait.ge [sflag:s18], $0x2800  }
0xc9: {  	s1 =	sld [smem:$0x7F1]  }
0xca: {  	[sflag:s18] =	ssyncset.done $0x0  }
0xcb: {  	[sflag:s18] =	ssyncadd.s32 $0xFFFFD800  }
0xcc: {  	[hbm4b:s1+s2] =	stream.linear.scatter [tilespmem:s15], [sflag:$0xA], $0x2800, $0x38;
	[tilespmem:$0x1E428] =	vst v63  }
0xcd: {  	_ =	swait.ge [sflag:s11], $0x2800  }
0xce: {  	s1 =	sld [smem:$0x7F2]  }
0xcf: {  	[sflag:s11] =	ssyncset.done $0x0  }
0xd0: {  	[sflag:s11] =	ssyncadd.s32 $0xFFFFD800  }
0xd1: {  	[tilespmem:s23], [sflag:$0x7] =	stream.linear.gather [hbm4b:s1+s2], $0x2800, $0x38;
	[tilespmem:$0x1E428] =	vst v63  }
0xd2: {  	_ =	swait.ge [sflag:s30], $0x2800  }
0xd3: {  	[sflag:s30] =	ssyncset.done $0x0  }
0xd4: {  	[sflag:s30] =	ssyncadd.s32 $0xFFFFD800  }
0xd5: {  	_ =	swait.ge [sflag:s7], $0x2800  }
0xd6: {  	[sflag:s7] =	ssyncset.done $0x0  }
0xd7: {  	[sflag:s7] =	ssyncadd.s32 $0xFFFFD800  }
0xd8: {  	[tilespmem:s19], [sflag:$0x3] =	stream.indirect.gather [spmem:s3], $0x1, s21, s17, $0xb8;
	[tilespmem:$0x1E428] =	vst v63  }
0xd9: {  	_ =	swait.ge [sflag:s22], $0x2800  }
0xda: {  	s0 =	sld [smem:$0x7F3]  }
0xdb: {  	[sflag:s22] =	ssyncset.done $0x0  }
0xdc: {  	s1 =	sld [smem:$0x7F4];
	[sflag:s22] =	ssyncadd.s32 $0xFFFFD800  }
0xdd: {  	[hbm4b:s0+s2] =	stream.linear.scatter [tilespmem:s19], [sflag:$0x5], $0x2800, $0x38;
	[tilespmem:$0x1E428] =	vst v63  }
0xde: {  	_ = 	snop  }
0xdf: {  	[tilespmem:s21], [sflag:$0x1] =	stream.linear.gather [hbm4b:s1+s2], $0x2800, $0x38;
	[tilespmem:$0x1E428] =	vst v63  }
0xe0: {  	_ =	swait.ge [sflag:s29], $0x2800  }
0xe1: {  	s1 =	sld [smem:$0x7F5]  }
0xe2: {  	[sflag:s29] =	ssyncset.done $0x0  }
0xe3: {  	[sflag:s29] =	ssyncadd.s32 $0xFFFFD800  }
0xe4: {  	[hbm4b:s1+s2] =	stream.linear.scatter [tilespmem:s23], [sflag:$0x9], $0x2800, $0x38;
	[tilespmem:$0x1E428] =	vst v63  }
0xe5: {  	_ =	swait.ge [sflag:s8], $0x2800  }
0xe6: {  	s1 =	sld [smem:$0x7F6]  }
0xe7: {  	[sflag:s8] =	ssyncset.done $0x0  }
0xe8: {  	[sflag:s8] =	ssyncadd.s32 $0xFFFFD800  }
0xe9: {  	[tilespmem:s15], [sflag:$0x8] =	stream.linear.gather [hbm4b:s1+s2], $0x2800, $0x38;
	[tilespmem:$0x1E428] =	vst v63  }
0xea: {  	_ =	swait.ge [sflag:s24], $0x2800  }
0xeb: {  	[sflag:s24] =	ssyncset.done $0x0  }
0xec: {  	[sflag:s24] =	ssyncadd.s32 $0xFFFFD800  }
0xed: {  	_ =	swait.ge [sflag:s6], $0x2800  }
0xee: {  	[sflag:s6] =	ssyncset.done $0x0  }
0xef: {  	[sflag:s6] =	ssyncadd.s32 $0xFFFFD800  }
0xf0: {  	[tilespmem:s9], [sflag:$0x4] =	stream.indirect.gather [spmem:s3], $0x1, s10, s17, $0xb8;
	[tilespmem:$0x1E428] =	vst v63  }
0xf1: {  	_ =	swait.ge [sflag:s12], $0x2800  }
0xf2: {  	s0 =	sld [smem:$0x7F7]  }
0xf3: {  	[sflag:s12] =	ssyncset.done $0x0  }
0xf4: {  	s1 =	sld [smem:$0x7F8];
	[sflag:s12] =	ssyncadd.s32 $0xFFFFD800  }
0xf5: {  	[hbm4b:s0+s2] =	stream.linear.scatter [tilespmem:s9], [sflag:$0x6], $0x2800, $0x38;
	[tilespmem:$0x1E428] =	vst v63  }
0xf6: {  	_ = 	snop  }
0xf7: {  	[tilespmem:s10], [sflag:$0x2] =	stream.linear.gather [hbm4b:s1+s2], $0x2800, $0x38;
	[tilespmem:$0x1E428] =	vst v63  }
0xf8: {  	_ =	swait.ge [sflag:s18], $0x2800  }
0xf9: {  	s1 =	sld [smem:$0x7F9]  }
0xfa: {  	[sflag:s18] =	ssyncset.done $0x0  }
0xfb: {  	[sflag:s18] =	ssyncadd.s32 $0xFFFFD800  }
0xfc: {  	[hbm4b:s1+s2] =	stream.linear.scatter [tilespmem:s15], [sflag:$0xA], $0x2800, $0x38;
	[tilespmem:$0x1E428] =	vst v63  }
0xfd: {  	_ =	swait.ge [sflag:s11], $0x2800  }
0xfe: {  	s1 =	sld [smem:$0x7FA]  }
0xff: {  	[sflag:s11] =	ssyncset.done $0x0  }
0x100: {  	[sflag:s11] =	ssyncadd.s32 $0xFFFFD800  }
0x101: {  	[tilespmem:s23], [sflag:$0x7] =	stream.linear.gather [hbm4b:s1+s2], $0x2800, $0x38;
	[tilespmem:$0x1E428] =	vst v63  }
0x102: {  	_ =	swait.ge [sflag:s30], $0x2800  }
0x103: {  	[sflag:s30] =	ssyncset.done $0x0  }
0x104: {  	[sflag:s30] =	ssyncadd.s32 $0xFFFFD800  }
0x105: {  	_ =	swait.ge [sflag:s7], $0x2800  }
0x106: {  	[sflag:s7] =	ssyncset.done $0x0  }
0x107: {  	[sflag:s7] =	ssyncadd.s32 $0xFFFFD800  }
0x108: {  	[tilespmem:s19], [sflag:$0x3] =	stream.indirect.gather [spmem:s3], $0x1, s21, s17, $0xb8;
	[tilespmem:$0x1E428] =	vst v63  }
0x109: {  	_ =	swait.ge [sflag:s22], $0x2800  }
0x10a: {  	s0 =	sld [smem:$0x7FB]  }
0x10b: {  	[sflag:s22] =	ssyncset.done $0x0  }
0x10c: {  	s1 =	sld [smem:$0x7FC];
	[sflag:s22] =	ssyncadd.s32 $0xFFFFD800  }
0x10d: {  	[hbm4b:s0+s2] =	stream.linear.scatter [tilespmem:s19], [sflag:$0x5], $0x2800, $0x38;
	[tilespmem:$0x1E428] =	vst v63  }
0x10e: {  	_ = 	snop  }
0x10f: {  	[tilespmem:s21], [sflag:$0x1] =	stream.linear.gather [hbm4b:s1+s2], $0x2800, $0x38;
	[tilespmem:$0x1E428] =	vst v63  }
0x110: {  	_ =	swait.ge [sflag:s29], $0x2800  }
0x111: {  	s1 =	sld [smem:$0x7FD]  }
0x112: {  	[sflag:s29] =	ssyncset.done $0x0  }
0x113: {  	[sflag:s29] =	ssyncadd.s32 $0xFFFFD800  }
0x114: {  	[hbm4b:s1+s2] =	stream.linear.scatter [tilespmem:s23], [sflag:$0x9], $0x2800, $0x38;
	[tilespmem:$0x1E428] =	vst v63  }
0x115: {  	_ =	swait.ge [sflag:s8], $0x2800  }
0x116: {  	[sflag:s8] =	ssyncset.done $0x0  }
0x117: {  	[sflag:s8] =	ssyncadd.s32 $0xFFFFD800  }
0x118: {  	[tilespmem:s15], [sflag:$0x8] =	stream.linear.gather [hbm4b:s28+s2], $0x2800, $0x38;
	[tilespmem:$0x1E428] =	vst v63  }
0x119: {  	_ =	swait.ge [sflag:s24], $0x2800  }
0x11a: {  	[sflag:s24] =	ssyncset.done $0x0  }
0x11b: {  	[sflag:s24] =	ssyncadd.s32 $0xFFFFD800  }
0x11c: {  	_ =	swait.ge [sflag:s6], $0x2800  }
0x11d: {  	[sflag:s6] =	ssyncset.done $0x0  }
0x11e: {  	[sflag:s6] =	ssyncadd.s32 $0xFFFFD800  }
0x11f: {  	[tilespmem:s9], [sflag:$0x4] =	stream.indirect.gather [spmem:s3], $0x1, s10, s17, $0xb8;
	[tilespmem:$0x1E428] =	vst v63  }
0x120: {  	_ =	swait.ge [sflag:s12], $0x2800  }
0x121: {  	[sflag:s12] =	ssyncset.done $0x0  }
0x122: {  	[sflag:s12] =	ssyncadd.s32 $0xFFFFD800  }
0x123: {  	[hbm4b:s26+s2] =	stream.linear.scatter [tilespmem:s9], [sflag:$0x6], $0x2800, $0x38;
	[tilespmem:$0x1E428] =	vst v63  }
0x124: {  	_ = 	snop  }
0x125: {  	[tilespmem:s10], [sflag:$0x2] =	stream.linear.gather [hbm4b:s5+s2], $0x2800, $0x38;
	[tilespmem:$0x1E428] =	vst v63  }
0x126: {  	_ =	swait.ge [sflag:s18], $0x2800  }
0x127: {  	[sflag:s18] =	ssyncset.done $0x0  }
0x128: {  	[sflag:s18] =	ssyncadd.s32 $0xFFFFD800  }
0x129: {  	[hbm4b:s25+s2] =	stream.linear.scatter [tilespmem:s15], [sflag:$0xA], $0x2800, $0x38;
	[tilespmem:$0x1E428] =	vst v63  }
0x12a: {  	_ =	swait.ge [sflag:s11], $0x2800  }
0x12b: {  	[sflag:s11] =	ssyncset.done $0x0  }
0x12c: {  	[sflag:s11] =	ssyncadd.s32 $0xFFFFD800  }
0x12d: {  	[tilespmem:s23], [sflag:$0x7] =	stream.linear.gather [hbm4b:s20+s2], $0x2800, $0x38;
	[tilespmem:$0x1E428] =	vst v63  }
0x12e: {  	_ =	swait.ge [sflag:s30], $0x2800  }
0x12f: {  	[sflag:s30] =	ssyncset.done $0x0  }
0x130: {  	[sflag:s30] =	ssyncadd.s32 $0xFFFFD800  }
0x131: {  	_ =	swait.ge [sflag:s7], $0x2800  }
0x132: {  	[sflag:s7] =	ssyncset.done $0x0  }
0x133: {  	[sflag:s7] =	ssyncadd.s32 $0xFFFFD800  }
0x134: {  	[tilespmem:s19], [sflag:$0x3] =	stream.indirect.gather [spmem:s3], $0x1, s21, s17, $0xb8;
	[tilespmem:$0x1E428] =	vst v63  }
0x135: {  	_ =	swait.ge [sflag:s22], $0x2800  }
0x136: {  	[sflag:s22] =	ssyncset.done $0x0  }
0x137: {  	[sflag:s22] =	ssyncadd.s32 $0xFFFFD800  }
0x138: {  	[hbm4b:s16+s2] =	stream.linear.scatter [tilespmem:s19], [sflag:$0x5], $0x2800, $0x38;
	[tilespmem:$0x1E428] =	vst v63  }
0x139: {  	_ =	swait.ge [sflag:s29], $0x2800  }
0x13a: {  	[sflag:s29] =	ssyncset.done $0x0  }
0x13b: {  	[sflag:s29] =	ssyncadd.s32 $0xFFFFD800  }
0x13c: {  	[hbm4b:s14+s2] =	stream.linear.scatter [tilespmem:s23], [sflag:$0x9], $0x2800, $0x38;
	[tilespmem:$0x1E428] =	vst v63  }
0x13d: {  	_ =	swait.ge [sflag:s8], $0x2800  }
0x13e: {  	[sflag:s8] =	ssyncset.done $0x0  }
0x13f: {  	[sflag:s8] =	ssyncadd.s32 $0xFFFFD800  }
0x140: {  	[tilespmem:s15], [sflag:$0x8] =	stream.linear.gather [hbm4b:s13+s2], $0x2800, $0x38;
	[tilespmem:$0x1E428] =	vst v63  }
0x141: {  	_ =	swait.ge [sflag:s24], $0x2800  }
0x142: {  	[sflag:s24] =	ssyncset.done $0x0  }
0x143: {  	[sflag:s24] =	ssyncadd.s32 $0xFFFFD800  }
0x144: {  	_ =	swait.ge [sflag:s6], $0x2800  }
0x145: {  	[sflag:s6] =	ssyncset.done $0x0  }
0x146: {  	[sflag:s6] =	ssyncadd.s32 $0xFFFFD800  }
0x147: {  	[tilespmem:s9], [sflag:$0x4] =	stream.indirect.gather [spmem:s3], $0x1, s10, s17, $0xb8;
	[tilespmem:$0x1E428] =	vst v63  }
0x148: {  	_ =	swait.ge [sflag:s12], $0x2800  }
0x149: {  	[sflag:s12] =	ssyncset.done $0x0  }
0x14a: {  	[sflag:s12] =	ssyncadd.s32 $0xFFFFD800  }
0x14b: {  	[hbm4b:s4+s2] =	stream.linear.scatter [tilespmem:s9], [sflag:$0x6], $0x2800, $0x38;
	[tilespmem:$0x1E428] =	vst v63  }
0x14c: {  	_ =	swait.ge [sflag:s18], $0x2800  }
0x14d: {  	[sflag:s18] =	ssyncset.done $0x0  }
0x14e: {  	[sflag:s18] =	ssyncadd.s32 $0xFFFFD800  }
0x14f: {  	[hbm4b:s31+s2] =	stream.linear.scatter [tilespmem:s15], [sflag:$0xA], $0x2800, $0x38;
	[tilespmem:$0x1E428] =	vst v63  }
0x150: {  	_ =	swait.ge [sflag:s7], $0x2800  }
0x151: {  	[sflag:s7] =	ssyncset.done $0x0  }
0x152: {  	[sflag:s7] =	ssyncadd.s32 $0xFFFFD800  }
0x153: {  	_ =	swait.ge [sflag:s6], $0x2800  }
0x154: {  	[sflag:s6] =	ssyncset.done $0x0  }
0x155: {  	[sflag:s6] =	ssyncadd.s32 $0xFFFFD800  }
0x156: {  	_ =	swait.ge [sflag:s11], $0x2800  }
0x157: {  	s1 =	sld [smem:$0x7E8];
	_ =	sdelay $0x2  }
0x158: {  	[sflag:s11] =	ssyncset.done $0x0;
	p1 =	sne.s32 s1, $0x1  }
.Ltmp1:
0x159: {  	[sflag:s11] =	ssyncadd.s32 $0xFFFFD800;
	(pc) =	sbr.rel @!p1 .LBB2_4-.Ltmp1, $4  }
0x15a: {  	_ =	swait.ge [sflag:s8], $0x2800  }
0x15b: {  	s0 =	rddreg [dreg:$0x7]  }
0x15c: {  	p0 =	por $0x1, $0x1;
	[smem:$0x7E9] =	sst s28  }
0x15d: {  	s1 =	sadd.s32 $0xFFFFFFFF, s1;
	[sflag:s8] =	ssyncset.done $0x0;
	[smem:$0x7EA] =	sst s5  }
0x15e: {  	s10 =	simm.s32 $0x11C28  }
.LBB2_3:
0x15f: {  	[sflag:s8] =	ssyncadd.s32 $0xFFFFD800;
	s23 =	simm.s32 $0xF428  }
0x160: {  	s15 =	simm.s32 $0x11C28;
	s28 =	smov.u32 s26;
	s26 =	smov.u32 s25  }
0x161: {  	s25 =	smov.u32 s20;
	s20 =	smov.u32 s16;
	s16 =	smov.u32 s14  }
0x162: {  	[tilespmem:s23], [sflag:$0x1] =	stream.linear.gather [hbm4b:s0+s2], $0x2800, $0x38;
	[tilespmem:$0x1E428] =	vst v63  }
0x163: {  	s14 =	smov.u32 s13;
	s13 =	smov.u32 s4;
	s4 =	rddreg [dreg:$0x8]  }
0x164: {  	[tilespmem:s15], [sflag:$0x2] =	stream.linear.gather [hbm4b:s4+s2], $0x2800, $0x38;
	[tilespmem:$0x1E428] =	vst v63  }
0x165: {  	s0 =	rddreg [dreg:$0x9]  }
0x166: {  	[tilespmem:s19], [sflag:$0x3] =	stream.linear.gather [hbm4b:s0+s2], $0x2800, $0x38;
	[tilespmem:$0x1E428] =	vst v63  }
0x167: {  	_ =	swait.ge [sflag:s22], $0x2800  }
0x168: {  	[sflag:s22] =	ssyncset.done $0x0  }
0x169: {  	s0 =	rddreg [dreg:$0xa];
	[sflag:s22] =	ssyncadd.s32 $0xFFFFD800  }
0x16a: {  	[spmem:s0] =	stream.linear.scatter [tilespmem:s19], [sflag:$0x5], $0x2800, $0x38;
	[tilespmem:$0x1E428] =	vst v63  }
0x16b: {  	s4 =	rddreg [dreg:$0xb]  }
0x16c: {  	[tilespmem:s9], [sflag:$0x4] =	stream.linear.gather [hbm4b:s4+s2], $0x2800, $0x38;
	[tilespmem:$0x1E428] =	vst v63  }
0x16d: {  	_ =	swait.ge [sflag:s12], $0x2800  }
0x16e: {  	[sflag:s12] =	ssyncset.done $0x0  }
0x16f: {  	s4 =	rddreg [dreg:$0xc];
	[sflag:s12] =	ssyncadd.s32 $0xFFFFD800  }
0x170: {  	[spmem:s4] =	stream.linear.scatter [tilespmem:s9], [sflag:$0x6], $0x2800, $0x38;
	[tilespmem:$0x1E428] =	vst v63  }
0x171: {  	_ =	swait.ge [sflag:s7], $0x2800  }
0x172: {  	[sflag:s7] =	ssyncset.done $0x0  }
0x173: {  	s4 =	rddreg [dreg:$0xd];
	[sflag:s7] =	ssyncadd.s32 $0xFFFFD800  }
0x174: {  	[tilespmem:s19], [sflag:$0x3] =	stream.linear.gather [hbm4b:s4+s2], $0x2800, $0x38;
	[tilespmem:$0x1E428] =	vst v63  }
0x175: {  	_ =	swait.ge [sflag:s22], $0x2800  }
0x176: {  	[sflag:s22] =	ssyncset.done $0x0  }
0x177: {  	s4 =	rddreg [dreg:$0xe];
	[sflag:s22] =	ssyncadd.s32 $0xFFFFD800  }
0x178: {  	[spmem:s4] =	stream.linear.scatter [tilespmem:s19], [sflag:$0x5], $0x2800, $0x38;
	[tilespmem:$0x1E428] =	vst v63  }
0x179: {  	_ =	swait.ge [sflag:s6], $0x2800  }
0x17a: {  	[sflag:s6] =	ssyncset.done $0x0  }
0x17b: {  	s4 =	rddreg [dreg:$0xf];
	[sflag:s6] =	ssyncadd.s32 $0xFFFFD800  }
0x17c: {  	[tilespmem:s9], [sflag:$0x4] =	stream.linear.gather [hbm4b:s4+s2], $0x2800, $0x38;
	[tilespmem:$0x1E428] =	vst v63  }
0x17d: {  	_ =	swait.ge [sflag:s12], $0x2800  }
0x17e: {  	[sflag:s12] =	ssyncset.done $0x0  }
0x17f: {  	s4 =	rddreg [dreg:$0x10];
	[sflag:s12] =	ssyncadd.s32 $0xFFFFD800  }
0x180: {  	[spmem:s4] =	stream.linear.scatter [tilespmem:s9], [sflag:$0x6], $0x2800, $0x38;
	[tilespmem:$0x1E428] =	vst v63  }
0x181: {  	_ =	swait.ge [sflag:s7], $0x2800  }
0x182: {  	[sflag:s7] =	ssyncset.done $0x0  }
0x183: {  	s4 =	rddreg [dreg:$0x11];
	[sflag:s7] =	ssyncadd.s32 $0xFFFFD800  }
0x184: {  	[tilespmem:s19], [sflag:$0x3] =	stream.linear.gather [hbm4b:s4+s2], $0x2800, $0x38;
	[tilespmem:$0x1E428] =	vst v63  }
0x185: {  	_ =	swait.ge [sflag:s22], $0x2800  }
0x186: {  	[sflag:s22] =	ssyncset.done $0x0  }
0x187: {  	s4 =	rddreg [dreg:$0x12];
	[sflag:s22] =	ssyncadd.s32 $0xFFFFD800  }
0x188: {  	[spmem:s4] =	stream.linear.scatter [tilespmem:s19], [sflag:$0x5], $0x2800, $0x38;
	[tilespmem:$0x1E428] =	vst v63  }
0x189: {  	_ =	swait.ge [sflag:s6], $0x2800  }
0x18a: {  	[sflag:s6] =	ssyncset.done $0x0  }
0x18b: {  	s4 =	rddreg [dreg:$0x13];
	[sflag:s6] =	ssyncadd.s32 $0xFFFFD800  }
0x18c: {  	[tilespmem:s9], [sflag:$0x4] =	stream.linear.gather [hbm4b:s4+s2], $0x2800, $0x38;
	[tilespmem:$0x1E428] =	vst v63  }
0x18d: {  	_ =	swait.ge [sflag:s12], $0x2800  }
0x18e: {  	[sflag:s12] =	ssyncset.done $0x0  }
0x18f: {  	s4 =	rddreg [dreg:$0x14];
	[sflag:s12] =	ssyncadd.s32 $0xFFFFD800  }
0x190: {  	[spmem:s4] =	stream.linear.scatter [tilespmem:s9], [sflag:$0x6], $0x2800, $0x38;
	[tilespmem:$0x1E428] =	vst v63  }
0x191: {  	_ =	swait.ge [sflag:s7], $0x2800  }
0x192: {  	[sflag:s7] =	ssyncset.done $0x0  }
0x193: {  	s4 =	rddreg [dreg:$0x15];
	[sflag:s7] =	ssyncadd.s32 $0xFFFFD800  }
0x194: {  	[tilespmem:s19], [sflag:$0x3] =	stream.linear.gather [hbm4b:s4+s2], $0x428, $0x38;
	[tilespmem:$0x1E428] =	vst v63  }
0x195: {  	_ =	swait.ge [sflag:s22], $0x428  }
0x196: {  	[sflag:s22] =	ssyncset.done $0x0  }
0x197: {  	s4 =	rddreg [dreg:$0x16];
	[sflag:s22] =	ssyncadd.s32 $0xFFFFFBD8  }
0x198: {  	[spmem:s4] =	stream.linear.scatter [tilespmem:s19], [sflag:$0x5], $0x428, $0x38;
	[tilespmem:$0x1E428] =	vst v63  }
0x199: {  	_ =	swait.ge [sflag:s7], $0x428  }
0x19a: {  	[sflag:s7] =	ssyncset.done $0x0  }
0x19b: {  	[sflag:s7] =	ssyncadd.s32 $0xFFFFFBD8  }
0x19c: {  	_ =	swait.ge [sflag:s6], $0x2800  }
0x19d: {  	[sflag:s6] =	ssyncset.done $0x0  }
0x19e: {  	[sflag:s6] =	ssyncadd.s32 $0xFFFFD800  }
0x19f: {  	[bflag:$0x0] =	sbarrier.arrive $0xFFFF  }
0x1a0: {  	s5 =	simm.s32 $0x1;
	s8 =	simm.s32 $0x19428;
	s4 =	rddreg [dreg:$0x17]  }
0x1a1: {  	[tilespmem:s8], [sflag:$0x7] =	stream.linear.gather [hbm4b:s4+s2], $0x2800, $0x38;
	[tilespmem:$0x1E428] =	vst v63  }
0x1a2: {  	_ =	swait.ge [sflag:s5], $0x2800  }
0x1a3: {  	[sflag:s5] =	ssyncset.done $0x0  }
0x1a4: {  	s21 =	simm.s32 $0x2800;
	[sflag:s5] =	ssyncadd.s32 $0xFFFFD800  }
0x1a5: {  	[tilespmem:s19], [sflag:$0x3] =	stream.indirect.gather [spmem:s3], $0x1, s23, s21, $0xb8;
	[tilespmem:$0x1E428] =	vst v63  }
0x1a6: {  	_ =	swait.ge [sflag:s22], $0x2800  }
0x1a7: {  	[sflag:s22] =	ssyncset.done $0x0  }
0x1a8: {  	s4 =	rddreg [dreg:$0x18];
	[sflag:s22] =	ssyncadd.s32 $0xFFFFD800  }
0x1a9: {  	[hbm4b:s4+s2] =	stream.linear.scatter [tilespmem:s19], [sflag:$0x5], $0x2800, $0x38;
	[tilespmem:$0x1E428] =	vst v63  }
0x1aa: {  	s30 =	simm.s32 $0x7;
	s5 =	rddreg [dreg:$0x19]  }
0x1ab: {  	[tilespmem:s23], [sflag:$0x1] =	stream.linear.gather [hbm4b:s5+s2], $0x2800, $0x38;
	[tilespmem:$0x1E428] =	vst v63  }
0x1ac: {  	_ =	swait.ge [sflag:s30], $0x2800  }
0x1ad: {  	[sflag:s30] =	ssyncset.done $0x0  }
0x1ae: {  	s4 =	rddreg [dreg:$0x1a];
	[sflag:s30] =	ssyncadd.s32 $0xFFFFD800  }
0x1af: {  	[hbm4b:s4+s2] =	stream.linear.scatter [tilespmem:s8], [sflag:$0x9], $0x2800, $0x38;
	[tilespmem:$0x1E428] =	vst v63  }
0x1b0: {  	s29 =	simm.s32 $0x2;
	s17 =	simm.s32 $0x1BC28;
	s5 =	rddreg [dreg:$0x1b]  }
0x1b1: {  	[tilespmem:s17], [sflag:$0x8] =	stream.linear.gather [hbm4b:s5+s2], $0x2800, $0x38;
	[tilespmem:$0x1E428] =	vst v63  }
0x1b2: {  	_ =	swait.ge [sflag:s29], $0x2800  }
0x1b3: {  	[sflag:s29] =	ssyncset.done $0x0  }
0x1b4: {  	[sflag:s29] =	ssyncadd.s32 $0xFFFFD800  }
0x1b5: {  	[tilespmem:s9], [sflag:$0x4] =	stream.indirect.gather [spmem:s3], $0x1, s15, s21, $0xb8;
	[tilespmem:$0x1E428] =	vst v63  }
0x1b6: {  	_ =	swait.ge [sflag:s12], $0x2800  }
0x1b7: {  	[sflag:s12] =	ssyncset.done $0x0  }
0x1b8: {  	s4 =	rddreg [dreg:$0x1c];
	[sflag:s12] =	ssyncadd.s32 $0xFFFFD800  }
0x1b9: {  	[hbm4b:s4+s2] =	stream.linear.scatter [tilespmem:s9], [sflag:$0x6], $0x2800, $0x38;
	[tilespmem:$0x1E428] =	vst v63  }
0x1ba: {  	s24 =	simm.s32 $0x8;
	s5 =	rddreg [dreg:$0x1d]  }
0x1bb: {  	[tilespmem:s15], [sflag:$0x2] =	stream.linear.gather [hbm4b:s5+s2], $0x2800, $0x38;
	[tilespmem:$0x1E428] =	vst v63  }
0x1bc: {  	_ =	swait.ge [sflag:s24], $0x2800  }
0x1bd: {  	[sflag:s24] =	ssyncset.done $0x0  }
0x1be: {  	s18 =	simm.s32 $0x9;
	s4 =	rddreg [dreg:$0x1e];
	[sflag:s24] =	ssyncadd.s32 $0xFFFFD800  }
0x1bf: {  	[hbm4b:s4+s2] =	stream.linear.scatter [tilespmem:s17], [sflag:$0xA], $0x2800, $0x38;
	[tilespmem:$0x1E428] =	vst v63  }
0x1c0: {  	_ =	swait.ge [sflag:s18], $0x2800  }
0x1c1: {  	[sflag:s18] =	ssyncset.done $0x0  }
0x1c2: {  	s30 =	simm.s32 $0x1;
	s5 =	rddreg [dreg:$0x1f];
	[sflag:s18] =	ssyncadd.s32 $0xFFFFD800  }
0x1c3: {  	[tilespmem:s8], [sflag:$0x7] =	stream.linear.gather [hbm4b:s5+s2], $0x2800, $0x38;
	[tilespmem:$0x1E428] =	vst v63  }
0x1c4: {  	_ =	swait.ge [sflag:s30], $0x2800  }
0x1c5: {  	[sflag:s30] =	ssyncset.done $0x0  }
0x1c6: {  	[sflag:s30] =	ssyncadd.s32 $0xFFFFD800  }
0x1c7: {  	_ =	swait.ge [sflag:s7], $0x2800  }
0x1c8: {  	[sflag:s7] =	ssyncset.done $0x0  }
0x1c9: {  	[sflag:s7] =	ssyncadd.s32 $0xFFFFD800  }
0x1ca: {  	[tilespmem:s19], [sflag:$0x3] =	stream.indirect.gather [spmem:s3], $0x1, s23, s21, $0xb8;
	[tilespmem:$0x1E428] =	vst v63  }
0x1cb: {  	_ =	swait.ge [sflag:s22], $0x2800  }
0x1cc: {  	s4 =	sld [smem:$0x7EB]  }
0x1cd: {  	[sflag:s22] =	ssyncset.done $0x0  }
0x1ce: {  	s5 =	sld [smem:$0x7EC];
	[sflag:s22] =	ssyncadd.s32 $0xFFFFD800  }
0x1cf: {  	[hbm4b:s4+s2] =	stream.linear.scatter [tilespmem:s19], [sflag:$0x5], $0x2800, $0x38;
	[tilespmem:$0x1E428] =	vst v63  }
0x1d0: {  	s29 =	simm.s32 $0x7  }
0x1d1: {  	[tilespmem:s23], [sflag:$0x1] =	stream.linear.gather [hbm4b:s5+s2], $0x2800, $0x38;
	[tilespmem:$0x1E428] =	vst v63  }
0x1d2: {  	_ =	swait.ge [sflag:s29], $0x2800  }
0x1d3: {  	s4 =	sld [smem:$0x7ED]  }
0x1d4: {  	[sflag:s29] =	ssyncset.done $0x0  }
0x1d5: {  	s11 =	simm.s32 $0xA;
	[sflag:s29] =	ssyncadd.s32 $0xFFFFD800  }
0x1d6: {  	[hbm4b:s4+s2] =	stream.linear.scatter [tilespmem:s8], [sflag:$0x9], $0x2800, $0x38;
	[tilespmem:$0x1E428] =	vst v63  }
0x1d7: {  	_ =	swait.ge [sflag:s11], $0x2800  }
0x1d8: {  	s5 =	sld [smem:$0x7EE]  }
0x1d9: {  	[sflag:s11] =	ssyncset.done $0x0  }
0x1da: {  	s24 =	simm.s32 $0x2;
	[sflag:s11] =	ssyncadd.s32 $0xFFFFD800  }
0x1db: {  	[tilespmem:s17], [sflag:$0x8] =	stream.linear.gather [hbm4b:s5+s2], $0x2800, $0x38;
	[tilespmem:$0x1E428] =	vst v63  }
0x1dc: {  	_ =	swait.ge [sflag:s24], $0x2800  }
0x1dd: {  	[sflag:s24] =	ssyncset.done $0x0  }
0x1de: {  	[sflag:s24] =	ssyncadd.s32 $0xFFFFD800  }
0x1df: {  	_ =	swait.ge [sflag:s6], $0x2800  }
0x1e0: {  	[sflag:s6] =	ssyncset.done $0x0  }
0x1e1: {  	[sflag:s6] =	ssyncadd.s32 $0xFFFFD800  }
0x1e2: {  	[tilespmem:s9], [sflag:$0x4] =	stream.indirect.gather [spmem:s3], $0x1, s15, s21, $0xb8;
	[tilespmem:$0x1E428] =	vst v63  }
0x1e3: {  	_ =	swait.ge [sflag:s12], $0x2800  }
0x1e4: {  	s4 =	sld [smem:$0x7EF]  }
0x1e5: {  	[sflag:s12] =	ssyncset.done $0x0  }
0x1e6: {  	s5 =	sld [smem:$0x7F0];
	[sflag:s12] =	ssyncadd.s32 $0xFFFFD800  }
0x1e7: {  	[hbm4b:s4+s2] =	stream.linear.scatter [tilespmem:s9], [sflag:$0x6], $0x2800, $0x38;
	[tilespmem:$0x1E428] =	vst v63  }
0x1e8: {  	s18 =	simm.s32 $0x8  }
0x1e9: {  	[tilespmem:s15], [sflag:$0x2] =	stream.linear.gather [hbm4b:s5+s2], $0x2800, $0x38;
	[tilespmem:$0x1E428] =	vst v63  }
0x1ea: {  	_ =	swait.ge [sflag:s18], $0x2800  }
0x1eb: {  	s4 =	sld [smem:$0x7F1]  }
0x1ec: {  	[sflag:s18] =	ssyncset.done $0x0  }
0x1ed: {  	s11 =	simm.s32 $0x9;
	[sflag:s18] =	ssyncadd.s32 $0xFFFFD800  }
0x1ee: {  	[hbm4b:s4+s2] =	stream.linear.scatter [tilespmem:s17], [sflag:$0xA], $0x2800, $0x38;
	[tilespmem:$0x1E428] =	vst v63  }
0x1ef: {  	_ =	swait.ge [sflag:s11], $0x2800  }
0x1f0: {  	s5 =	sld [smem:$0x7F2]  }
0x1f1: {  	[sflag:s11] =	ssyncset.done $0x0  }
0x1f2: {  	[sflag:s11] =	ssyncadd.s32 $0xFFFFD800  }
0x1f3: {  	[tilespmem:s8], [sflag:$0x7] =	stream.linear.gather [hbm4b:s5+s2], $0x2800, $0x38;
	[tilespmem:$0x1E428] =	vst v63  }
0x1f4: {  	_ =	swait.ge [sflag:s30], $0x2800  }
0x1f5: {  	[sflag:s30] =	ssyncset.done $0x0  }
0x1f6: {  	[sflag:s30] =	ssyncadd.s32 $0xFFFFD800  }
0x1f7: {  	_ =	swait.ge [sflag:s7], $0x2800  }
0x1f8: {  	[sflag:s7] =	ssyncset.done $0x0  }
0x1f9: {  	[sflag:s7] =	ssyncadd.s32 $0xFFFFD800  }
0x1fa: {  	[tilespmem:s19], [sflag:$0x3] =	stream.indirect.gather [spmem:s3], $0x1, s23, s21, $0xb8;
	[tilespmem:$0x1E428] =	vst v63  }
0x1fb: {  	_ =	swait.ge [sflag:s22], $0x2800  }
0x1fc: {  	s4 =	sld [smem:$0x7F3]  }
0x1fd: {  	[sflag:s22] =	ssyncset.done $0x0  }
0x1fe: {  	s5 =	sld [smem:$0x7F4];
	[sflag:s22] =	ssyncadd.s32 $0xFFFFD800  }
0x1ff: {  	[hbm4b:s4+s2] =	stream.linear.scatter [tilespmem:s19], [sflag:$0x5], $0x2800, $0x38;
	[tilespmem:$0x1E428] =	vst v63  }
0x200: {  	s21 =	simm.s32 $0xF428  }
0x201: {  	[tilespmem:s21], [sflag:$0x1] =	stream.linear.gather [hbm4b:s5+s2], $0x2800, $0x38;
	[tilespmem:$0x1E428] =	vst v63  }
0x202: {  	_ =	swait.ge [sflag:s29], $0x2800  }
0x203: {  	s4 =	sld [smem:$0x7F5]  }
0x204: {  	[sflag:s29] =	ssyncset.done $0x0  }
0x205: {  	s8 =	simm.s32 $0xA;
	s23 =	simm.s32 $0x19428;
	[sflag:s29] =	ssyncadd.s32 $0xFFFFD800  }
0x206: {  	[hbm4b:s4+s2] =	stream.linear.scatter [tilespmem:s23], [sflag:$0x9], $0x2800, $0x38;
	[tilespmem:$0x1E428] =	vst v63  }
0x207: {  	_ =	swait.ge [sflag:s8], $0x2800  }
0x208: {  	s5 =	sld [smem:$0x7F6]  }
0x209: {  	[sflag:s8] =	ssyncset.done $0x0  }
0x20a: {  	[sflag:s8] =	ssyncadd.s32 $0xFFFFD800  }
0x20b: {  	[tilespmem:s17], [sflag:$0x8] =	stream.linear.gather [hbm4b:s5+s2], $0x2800, $0x38;
	[tilespmem:$0x1E428] =	vst v63  }
0x20c: {  	_ =	swait.ge [sflag:s24], $0x2800  }
0x20d: {  	[sflag:s24] =	ssyncset.done $0x0  }
0x20e: {  	[sflag:s24] =	ssyncadd.s32 $0xFFFFD800  }
0x20f: {  	_ =	swait.ge [sflag:s6], $0x2800  }
0x210: {  	[sflag:s6] =	ssyncset.done $0x0  }
0x211: {  	s17 =	simm.s32 $0x2800;
	[sflag:s6] =	ssyncadd.s32 $0xFFFFD800  }
0x212: {  	[tilespmem:s9], [sflag:$0x4] =	stream.indirect.gather [spmem:s3], $0x1, s15, s17, $0xb8;
	[tilespmem:$0x1E428] =	vst v63  }
0x213: {  	_ =	swait.ge [sflag:s12], $0x2800  }
0x214: {  	s4 =	sld [smem:$0x7F7]  }
0x215: {  	[sflag:s12] =	ssyncset.done $0x0  }
0x216: {  	s5 =	sld [smem:$0x7F8];
	[sflag:s12] =	ssyncadd.s32 $0xFFFFD800  }
0x217: {  	[hbm4b:s4+s2] =	stream.linear.scatter [tilespmem:s9], [sflag:$0x6], $0x2800, $0x38;
	[tilespmem:$0x1E428] =	vst v63  }
0x218: {  	_ = 	snop  }
0x219: {  	[tilespmem:s15], [sflag:$0x2] =	stream.linear.gather [hbm4b:s5+s2], $0x2800, $0x38;
	[tilespmem:$0x1E428] =	vst v63  }
0x21a: {  	_ =	swait.ge [sflag:s18], $0x2800  }
0x21b: {  	s4 =	sld [smem:$0x7F9]  }
0x21c: {  	[sflag:s18] =	ssyncset.done $0x0  }
0x21d: {  	s15 =	simm.s32 $0x1BC28;
	[sflag:s18] =	ssyncadd.s32 $0xFFFFD800  }
0x21e: {  	[hbm4b:s4+s2] =	stream.linear.scatter [tilespmem:s15], [sflag:$0xA], $0x2800, $0x38;
	[tilespmem:$0x1E428] =	vst v63  }
0x21f: {  	_ =	swait.ge [sflag:s11], $0x2800  }
0x220: {  	s5 =	sld [smem:$0x7FA]  }
0x221: {  	[sflag:s11] =	ssyncset.done $0x0  }
0x222: {  	[sflag:s11] =	ssyncadd.s32 $0xFFFFD800  }
0x223: {  	[tilespmem:s23], [sflag:$0x7] =	stream.linear.gather [hbm4b:s5+s2], $0x2800, $0x38;
	[tilespmem:$0x1E428] =	vst v63  }
0x224: {  	_ =	swait.ge [sflag:s30], $0x2800  }
0x225: {  	[sflag:s30] =	ssyncset.done $0x0  }
0x226: {  	[sflag:s30] =	ssyncadd.s32 $0xFFFFD800  }
0x227: {  	_ =	swait.ge [sflag:s7], $0x2800  }
0x228: {  	[sflag:s7] =	ssyncset.done $0x0  }
0x229: {  	[sflag:s7] =	ssyncadd.s32 $0xFFFFD800  }
0x22a: {  	[tilespmem:s19], [sflag:$0x3] =	stream.indirect.gather [spmem:s3], $0x1, s21, s17, $0xb8;
	[tilespmem:$0x1E428] =	vst v63  }
0x22b: {  	_ =	swait.ge [sflag:s22], $0x2800  }
0x22c: {  	s4 =	sld [smem:$0x7FB]  }
0x22d: {  	[sflag:s22] =	ssyncset.done $0x0  }
0x22e: {  	[sflag:s22] =	ssyncadd.s32 $0xFFFFD800  }
0x22f: {  	[hbm4b:s4+s2] =	stream.linear.scatter [tilespmem:s19], [sflag:$0x5], $0x2800, $0x38;
	[tilespmem:$0x1E428] =	vst v63  }
0x230: {  	s5 =	sld [smem:$0x7FC];
	s4 =	smov.u32 s13;
	s13 =	smov.u32 s14  }
0x231: {  	s14 =	smov.u32 s16;
	s16 =	smov.u32 s20;
	s20 =	smov.u32 s25  }
0x232: {  	s25 =	smov.u32 s26;
	s26 =	smov.u32 s28;
	s28 =	sld [smem:$0x7E9]  }
0x233: {  	[tilespmem:s21], [sflag:$0x1] =	stream.linear.gather [hbm4b:s5+s2], $0x2800, $0x38;
	[tilespmem:$0x1E428] =	vst v63  }
0x234: {  	s5 =	sld [smem:$0x7EA];
	_ =	swait.ge [sflag:s29], $0x2800  }
0x235: {  	s0 =	sld [smem:$0x7FD]  }
0x236: {  	[sflag:s29] =	ssyncset.done $0x0  }
0x237: {  	[sflag:s29] =	ssyncadd.s32 $0xFFFFD800  }
0x238: {  	[hbm4b:s0+s2] =	stream.linear.scatter [tilespmem:s23], [sflag:$0x9], $0x2800, $0x38;
	[tilespmem:$0x1E428] =	vst v63  }
0x239: {  	_ =	swait.ge [sflag:s8], $0x2800  }
0x23a: {  	[sflag:s8] =	ssyncset.done $0x0  }
0x23b: {  	[sflag:s8] =	ssyncadd.s32 $0xFFFFD800  }
0x23c: {  	[tilespmem:s15], [sflag:$0x8] =	stream.linear.gather [hbm4b:s28+s2], $0x2800, $0x38;
	[tilespmem:$0x1E428] =	vst v63  }
0x23d: {  	_ =	swait.ge [sflag:s24], $0x2800  }
0x23e: {  	[sflag:s24] =	ssyncset.done $0x0  }
0x23f: {  	[sflag:s24] =	ssyncadd.s32 $0xFFFFD800  }
0x240: {  	_ =	swait.ge [sflag:s6], $0x2800  }
0x241: {  	[sflag:s6] =	ssyncset.done $0x0  }
0x242: {  	[sflag:s6] =	ssyncadd.s32 $0xFFFFD800  }
0x243: {  	[tilespmem:s9], [sflag:$0x4] =	stream.indirect.gather [spmem:s3], $0x1, s10, s17, $0xb8;
	[tilespmem:$0x1E428] =	vst v63  }
0x244: {  	_ =	swait.ge [sflag:s12], $0x2800  }
0x245: {  	[sflag:s12] =	ssyncset.done $0x0  }
0x246: {  	[sflag:s12] =	ssyncadd.s32 $0xFFFFD800  }
0x247: {  	[hbm4b:s26+s2] =	stream.linear.scatter [tilespmem:s9], [sflag:$0x6], $0x2800, $0x38;
	[tilespmem:$0x1E428] =	vst v63  }
0x248: {  	_ = 	snop  }
0x249: {  	[tilespmem:s10], [sflag:$0x2] =	stream.linear.gather [hbm4b:s5+s2], $0x2800, $0x38;
	[tilespmem:$0x1E428] =	vst v63  }
0x24a: {  	_ =	swait.ge [sflag:s18], $0x2800  }
0x24b: {  	[sflag:s18] =	ssyncset.done $0x0  }
0x24c: {  	[sflag:s18] =	ssyncadd.s32 $0xFFFFD800  }
0x24d: {  	[hbm4b:s25+s2] =	stream.linear.scatter [tilespmem:s15], [sflag:$0xA], $0x2800, $0x38;
	[tilespmem:$0x1E428] =	vst v63  }
0x24e: {  	_ =	swait.ge [sflag:s11], $0x2800  }
0x24f: {  	[sflag:s11] =	ssyncset.done $0x0  }
0x250: {  	[sflag:s11] =	ssyncadd.s32 $0xFFFFD800  }
0x251: {  	[tilespmem:s23], [sflag:$0x7] =	stream.linear.gather [hbm4b:s20+s2], $0x2800, $0x38;
	[tilespmem:$0x1E428] =	vst v63  }
0x252: {  	_ =	swait.ge [sflag:s30], $0x2800  }
0x253: {  	[sflag:s30] =	ssyncset.done $0x0  }
0x254: {  	[sflag:s30] =	ssyncadd.s32 $0xFFFFD800  }
0x255: {  	_ =	swait.ge [sflag:s7], $0x2800  }
0x256: {  	[sflag:s7] =	ssyncset.done $0x0  }
0x257: {  	[sflag:s7] =	ssyncadd.s32 $0xFFFFD800  }
0x258: {  	[tilespmem:s19], [sflag:$0x3] =	stream.indirect.gather [spmem:s3], $0x1, s21, s17, $0xb8;
	[tilespmem:$0x1E428] =	vst v63  }
0x259: {  	_ =	swait.ge [sflag:s22], $0x2800  }
0x25a: {  	[sflag:s22] =	ssyncset.done $0x0  }
0x25b: {  	[sflag:s22] =	ssyncadd.s32 $0xFFFFD800  }
0x25c: {  	[hbm4b:s16+s2] =	stream.linear.scatter [tilespmem:s19], [sflag:$0x5], $0x2800, $0x38;
	[tilespmem:$0x1E428] =	vst v63  }
0x25d: {  	_ =	swait.ge [sflag:s29], $0x2800  }
0x25e: {  	[sflag:s29] =	ssyncset.done $0x0  }
0x25f: {  	[sflag:s29] =	ssyncadd.s32 $0xFFFFD800  }
0x260: {  	[hbm4b:s14+s2] =	stream.linear.scatter [tilespmem:s23], [sflag:$0x9], $0x2800, $0x38;
	[tilespmem:$0x1E428] =	vst v63  }
0x261: {  	_ =	swait.ge [sflag:s8], $0x2800  }
0x262: {  	[sflag:s8] =	ssyncset.done $0x0  }
0x263: {  	[sflag:s8] =	ssyncadd.s32 $0xFFFFD800  }
0x264: {  	[tilespmem:s15], [sflag:$0x8] =	stream.linear.gather [hbm4b:s13+s2], $0x2800, $0x38;
	[tilespmem:$0x1E428] =	vst v63  }
0x265: {  	_ =	swait.ge [sflag:s24], $0x2800  }
0x266: {  	[sflag:s24] =	ssyncset.done $0x0  }
0x267: {  	[sflag:s24] =	ssyncadd.s32 $0xFFFFD800  }
0x268: {  	_ =	swait.ge [sflag:s6], $0x2800  }
0x269: {  	[sflag:s6] =	ssyncset.done $0x0  }
0x26a: {  	[sflag:s6] =	ssyncadd.s32 $0xFFFFD800  }
0x26b: {  	[tilespmem:s9], [sflag:$0x4] =	stream.indirect.gather [spmem:s3], $0x1, s10, s17, $0xb8;
	[tilespmem:$0x1E428] =	vst v63  }
0x26c: {  	_ =	swait.ge [sflag:s12], $0x2800  }
0x26d: {  	[sflag:s12] =	ssyncset.done $0x0  }
0x26e: {  	[sflag:s12] =	ssyncadd.s32 $0xFFFFD800  }
0x26f: {  	[hbm4b:s4+s2] =	stream.linear.scatter [tilespmem:s9], [sflag:$0x6], $0x2800, $0x38;
	[tilespmem:$0x1E428] =	vst v63  }
0x270: {  	_ =	swait.ge [sflag:s18], $0x2800  }
0x271: {  	[sflag:s18] =	ssyncset.done $0x0  }
0x272: {  	[sflag:s18] =	ssyncadd.s32 $0xFFFFD800  }
0x273: {  	[hbm4b:s31+s2] =	stream.linear.scatter [tilespmem:s15], [sflag:$0xA], $0x2800, $0x38;
	[tilespmem:$0x1E428] =	vst v63  }
0x274: {  	_ =	swait.ge [sflag:s7], $0x2800  }
0x275: {  	[sflag:s7] =	ssyncset.done $0x0  }
0x276: {  	[sflag:s7] =	ssyncadd.s32 $0xFFFFD800  }
0x277: {  	_ =	swait.ge [sflag:s6], $0x2800  }
0x278: {  	[sflag:s6] =	ssyncset.done $0x0  }
0x279: {  	p1 =	sne.s32 s1, $0x1;
	[sflag:s6] =	ssyncadd.s32 $0xFFFFD800  }
.Ltmp2:
0x27a: {  	_ =	swait.ge [sflag:s11], $0x2800;
	(pc) =	sbr.rel @p1 .LBB2_3-.Ltmp2, $4  }
0x27b: {  	[sflag:s11] =	ssyncset.done $0x0  }
0x27c: {  	[sflag:s11] =	ssyncadd.s32 $0xFFFFD800  }
0x27d: {  	_ =	swait.ge [sflag:s8], $0x2800  }
0x27e: {  	s1 =	sadd.s32 $0xFFFFFFFF, s1;
	s0 =	rddreg [dreg:$0x7];
	[sflag:s8] =	ssyncset.done $0x0  }
.LBB2_4:
0x27f: {  	[sflag:s8] =	ssyncadd.s32 @p0 $0xFFFFD800  }
0x280: {  	[tilespmem:s21], [sflag:$0x1] =	stream.linear.gather [hbm4b:s0+s2], $0x2800, $0x38;
	[tilespmem:$0x1E428] =	vst v63  }
0x281: {  	s1 =	rddreg [dreg:$0x8]  }
0x282: {  	[tilespmem:s10], [sflag:$0x2] =	stream.linear.gather [hbm4b:s1+s2], $0x2800, $0x38;
	[tilespmem:$0x1E428] =	vst v63  }
0x283: {  	s0 =	rddreg [dreg:$0x9]  }
0x284: {  	[tilespmem:s19], [sflag:$0x3] =	stream.linear.gather [hbm4b:s0+s2], $0x2800, $0x38;
	[tilespmem:$0x1E428] =	vst v63  }
0x285: {  	_ =	swait.ge [sflag:s22], $0x2800  }
0x286: {  	[sflag:s22] =	ssyncset.done $0x0  }
0x287: {  	s0 =	rddreg [dreg:$0xa];
	[sflag:s22] =	ssyncadd.s32 $0xFFFFD800  }
0x288: {  	[spmem:s0] =	stream.linear.scatter [tilespmem:s19], [sflag:$0x5], $0x2800, $0x38;
	[tilespmem:$0x1E428] =	vst v63  }
0x289: {  	s1 =	rddreg [dreg:$0xb]  }
0x28a: {  	[tilespmem:s9], [sflag:$0x4] =	stream.linear.gather [hbm4b:s1+s2], $0x2800, $0x38;
	[tilespmem:$0x1E428] =	vst v63  }
0x28b: {  	_ =	swait.ge [sflag:s12], $0x2800  }
0x28c: {  	[sflag:s12] =	ssyncset.done $0x0  }
0x28d: {  	s1 =	rddreg [dreg:$0xc];
	[sflag:s12] =	ssyncadd.s32 $0xFFFFD800  }
0x28e: {  	[spmem:s1] =	stream.linear.scatter [tilespmem:s9], [sflag:$0x6], $0x2800, $0x38;
	[tilespmem:$0x1E428] =	vst v63  }
0x28f: {  	_ =	swait.ge [sflag:s7], $0x2800  }
0x290: {  	[sflag:s7] =	ssyncset.done $0x0  }
0x291: {  	s1 =	rddreg [dreg:$0xd];
	[sflag:s7] =	ssyncadd.s32 $0xFFFFD800  }
0x292: {  	[tilespmem:s19], [sflag:$0x3] =	stream.linear.gather [hbm4b:s1+s2], $0x2800, $0x38;
	[tilespmem:$0x1E428] =	vst v63  }
0x293: {  	_ =	swait.ge [sflag:s22], $0x2800  }
0x294: {  	[sflag:s22] =	ssyncset.done $0x0  }
0x295: {  	s1 =	rddreg [dreg:$0xe];
	[sflag:s22] =	ssyncadd.s32 $0xFFFFD800  }
0x296: {  	[spmem:s1] =	stream.linear.scatter [tilespmem:s19], [sflag:$0x5], $0x2800, $0x38;
	[tilespmem:$0x1E428] =	vst v63  }
0x297: {  	_ =	swait.ge [sflag:s6], $0x2800  }
0x298: {  	[sflag:s6] =	ssyncset.done $0x0  }
0x299: {  	s1 =	rddreg [dreg:$0xf];
	[sflag:s6] =	ssyncadd.s32 $0xFFFFD800  }
0x29a: {  	[tilespmem:s9], [sflag:$0x4] =	stream.linear.gather [hbm4b:s1+s2], $0x2800, $0x38;
	[tilespmem:$0x1E428] =	vst v63  }
0x29b: {  	_ =	swait.ge [sflag:s12], $0x2800  }
0x29c: {  	[sflag:s12] =	ssyncset.done $0x0  }
0x29d: {  	s1 =	rddreg [dreg:$0x10];
	[sflag:s12] =	ssyncadd.s32 $0xFFFFD800  }
0x29e: {  	[spmem:s1] =	stream.linear.scatter [tilespmem:s9], [sflag:$0x6], $0x2800, $0x38;
	[tilespmem:$0x1E428] =	vst v63  }
0x29f: {  	_ =	swait.ge [sflag:s7], $0x2800  }
0x2a0: {  	[sflag:s7] =	ssyncset.done $0x0  }
0x2a1: {  	s1 =	rddreg [dreg:$0x11];
	[sflag:s7] =	ssyncadd.s32 $0xFFFFD800  }
0x2a2: {  	[tilespmem:s19], [sflag:$0x3] =	stream.linear.gather [hbm4b:s1+s2], $0x2800, $0x38;
	[tilespmem:$0x1E428] =	vst v63  }
0x2a3: {  	_ =	swait.ge [sflag:s22], $0x2800  }
0x2a4: {  	[sflag:s22] =	ssyncset.done $0x0  }
0x2a5: {  	s1 =	rddreg [dreg:$0x12];
	[sflag:s22] =	ssyncadd.s32 $0xFFFFD800  }
0x2a6: {  	[spmem:s1] =	stream.linear.scatter [tilespmem:s19], [sflag:$0x5], $0x2800, $0x38;
	[tilespmem:$0x1E428] =	vst v63  }
0x2a7: {  	_ =	swait.ge [sflag:s6], $0x2800  }
0x2a8: {  	[sflag:s6] =	ssyncset.done $0x0  }
0x2a9: {  	s1 =	rddreg [dreg:$0x13];
	[sflag:s6] =	ssyncadd.s32 $0xFFFFD800  }
0x2aa: {  	[tilespmem:s9], [sflag:$0x4] =	stream.linear.gather [hbm4b:s1+s2], $0x2800, $0x38;
	[tilespmem:$0x1E428] =	vst v63  }
0x2ab: {  	_ =	swait.ge [sflag:s12], $0x2800  }
0x2ac: {  	[sflag:s12] =	ssyncset.done $0x0  }
0x2ad: {  	s1 =	rddreg [dreg:$0x14];
	[sflag:s12] =	ssyncadd.s32 $0xFFFFD800  }
0x2ae: {  	[spmem:s1] =	stream.linear.scatter [tilespmem:s9], [sflag:$0x6], $0x2800, $0x38;
	[tilespmem:$0x1E428] =	vst v63  }
0x2af: {  	_ =	swait.ge [sflag:s7], $0x2800  }
0x2b0: {  	[sflag:s7] =	ssyncset.done $0x0  }
0x2b1: {  	s1 =	rddreg [dreg:$0x15];
	[sflag:s7] =	ssyncadd.s32 $0xFFFFD800  }
0x2b2: {  	[tilespmem:s19], [sflag:$0x3] =	stream.linear.gather [hbm4b:s1+s2], $0x428, $0x38;
	[tilespmem:$0x1E428] =	vst v63  }
0x2b3: {  	_ =	swait.ge [sflag:s22], $0x428  }
0x2b4: {  	[sflag:s22] =	ssyncset.done $0x0  }
0x2b5: {  	s1 =	rddreg [dreg:$0x16];
	[sflag:s22] =	ssyncadd.s32 $0xFFFFFBD8  }
0x2b6: {  	[spmem:s1] =	stream.linear.scatter [tilespmem:s19], [sflag:$0x5], $0x428, $0x38;
	[tilespmem:$0x1E428] =	vst v63  }
0x2b7: {  	_ =	swait.ge [sflag:s7], $0x428  }
0x2b8: {  	[sflag:s7] =	ssyncset.done $0x0  }
0x2b9: {  	[sflag:s7] =	ssyncadd.s32 $0xFFFFFBD8  }
0x2ba: {  	_ =	swait.ge [sflag:s6], $0x2800  }
0x2bb: {  	[sflag:s6] =	ssyncset.done $0x0  }
0x2bc: {  	[sflag:s6] =	ssyncadd.s32 $0xFFFFD800  }
0x2bd: {  	[bflag:$0x0] =	sbarrier.arrive $0xFFFF  }
0x2be: {  	s1 =	rddreg [dreg:$0x17]  }
0x2bf: {  	[tilespmem:s23], [sflag:$0x7] =	stream.linear.gather [hbm4b:s1+s2], $0x2800, $0x38;
	[tilespmem:$0x1E428] =	vst v63  }
0x2c0: {  	_ =	swait.ge [sflag:s30], $0x2800  }
0x2c1: {  	[sflag:s30] =	ssyncset.done $0x0  }
0x2c2: {  	[sflag:s30] =	ssyncadd.s32 $0xFFFFD800  }
0x2c3: {  	[tilespmem:s19], [sflag:$0x3] =	stream.indirect.gather [spmem:s3], $0x1, s21, s17, $0xb8;
	[tilespmem:$0x1E428] =	vst v63  }
0x2c4: {  	_ =	swait.ge [sflag:s22], $0x2800  }
0x2c5: {  	[sflag:s22] =	ssyncset.done $0x0  }
0x2c6: {  	s0 =	rddreg [dreg:$0x18];
	[sflag:s22] =	ssyncadd.s32 $0xFFFFD800  }
0x2c7: {  	[hbm4b:s0+s2] =	stream.linear.scatter [tilespmem:s19], [sflag:$0x5], $0x2800, $0x38;
	[tilespmem:$0x1E428] =	vst v63  }
0x2c8: {  	s1 =	rddreg [dreg:$0x19]  }
0x2c9: {  	[tilespmem:s21], [sflag:$0x1] =	stream.linear.gather [hbm4b:s1+s2], $0x2800, $0x38;
	[tilespmem:$0x1E428] =	vst v63  }
0x2ca: {  	_ =	swait.ge [sflag:s29], $0x2800  }
0x2cb: {  	[sflag:s29] =	ssyncset.done $0x0  }
0x2cc: {  	s0 =	rddreg [dreg:$0x1a];
	[sflag:s29] =	ssyncadd.s32 $0xFFFFD800  }
0x2cd: {  	[hbm4b:s0+s2] =	stream.linear.scatter [tilespmem:s23], [sflag:$0x9], $0x2800, $0x38;
	[tilespmem:$0x1E428] =	vst v63  }
0x2ce: {  	s1 =	rddreg [dreg:$0x1b]  }
0x2cf: {  	[tilespmem:s15], [sflag:$0x8] =	stream.linear.gather [hbm4b:s1+s2], $0x2800, $0x38;
	[tilespmem:$0x1E428] =	vst v63  }
0x2d0: {  	_ =	swait.ge [sflag:s24], $0x2800  }
0x2d1: {  	[sflag:s24] =	ssyncset.done $0x0  }
0x2d2: {  	[sflag:s24] =	ssyncadd.s32 $0xFFFFD800  }
0x2d3: {  	[tilespmem:s9], [sflag:$0x4] =	stream.indirect.gather [spmem:s3], $0x1, s10, s17, $0xb8;
	[tilespmem:$0x1E428] =	vst v63  }
0x2d4: {  	_ =	swait.ge [sflag:s12], $0x2800  }
0x2d5: {  	[sflag:s12] =	ssyncset.done $0x0  }
0x2d6: {  	s0 =	rddreg [dreg:$0x1c];
	[sflag:s12] =	ssyncadd.s32 $0xFFFFD800  }
0x2d7: {  	[hbm4b:s0+s2] =	stream.linear.scatter [tilespmem:s9], [sflag:$0x6], $0x2800, $0x38;
	[tilespmem:$0x1E428] =	vst v63  }
0x2d8: {  	s1 =	rddreg [dreg:$0x1d]  }
0x2d9: {  	[tilespmem:s10], [sflag:$0x2] =	stream.linear.gather [hbm4b:s1+s2], $0x2800, $0x38;
	[tilespmem:$0x1E428] =	vst v63  }
0x2da: {  	_ =	swait.ge [sflag:s18], $0x2800  }
0x2db: {  	[sflag:s18] =	ssyncset.done $0x0  }
0x2dc: {  	s1 =	rddreg [dreg:$0x1e];
	[sflag:s18] =	ssyncadd.s32 $0xFFFFD800  }
0x2dd: {  	[hbm4b:s1+s2] =	stream.linear.scatter [tilespmem:s15], [sflag:$0xA], $0x2800, $0x38;
	[tilespmem:$0x1E428] =	vst v63  }
0x2de: {  	_ =	swait.ge [sflag:s11], $0x2800  }
0x2df: {  	[sflag:s11] =	ssyncset.done $0x0  }
0x2e0: {  	s1 =	rddreg [dreg:$0x1f];
	[sflag:s11] =	ssyncadd.s32 $0xFFFFD800  }
0x2e1: {  	[tilespmem:s23], [sflag:$0x7] =	stream.linear.gather [hbm4b:s1+s2], $0x2800, $0x38;
	[tilespmem:$0x1E428] =	vst v63  }
0x2e2: {  	_ =	swait.ge [sflag:s30], $0x2800  }
0x2e3: {  	[sflag:s30] =	ssyncset.done $0x0  }
0x2e4: {  	[sflag:s30] =	ssyncadd.s32 $0xFFFFD800  }
0x2e5: {  	_ =	swait.ge [sflag:s7], $0x2800  }
0x2e6: {  	[sflag:s7] =	ssyncset.done $0x0  }
0x2e7: {  	[sflag:s7] =	ssyncadd.s32 $0xFFFFD800  }
0x2e8: {  	[tilespmem:s19], [sflag:$0x3] =	stream.indirect.gather [spmem:s3], $0x1, s21, s17, $0xb8;
	[tilespmem:$0x1E428] =	vst v63  }
0x2e9: {  	_ =	swait.ge [sflag:s22], $0x2800  }
0x2ea: {  	s0 =	sld [smem:$0x7EB]  }
0x2eb: {  	[sflag:s22] =	ssyncset.done $0x0  }
0x2ec: {  	s1 =	sld [smem:$0x7EC];
	[sflag:s22] =	ssyncadd.s32 $0xFFFFD800  }
0x2ed: {  	[hbm4b:s0+s2] =	stream.linear.scatter [tilespmem:s19], [sflag:$0x5], $0x2800, $0x38;
	[tilespmem:$0x1E428] =	vst v63  }
0x2ee: {  	_ = 	snop  }
0x2ef: {  	[tilespmem:s21], [sflag:$0x1] =	stream.linear.gather [hbm4b:s1+s2], $0x2800, $0x38;
	[tilespmem:$0x1E428] =	vst v63  }
0x2f0: {  	_ =	swait.ge [sflag:s29], $0x2800  }
0x2f1: {  	s1 =	sld [smem:$0x7ED]  }
0x2f2: {  	[sflag:s29] =	ssyncset.done $0x0  }
0x2f3: {  	[sflag:s29] =	ssyncadd.s32 $0xFFFFD800  }
0x2f4: {  	[hbm4b:s1+s2] =	stream.linear.scatter [tilespmem:s23], [sflag:$0x9], $0x2800, $0x38;
	[tilespmem:$0x1E428] =	vst v63  }
0x2f5: {  	_ =	swait.ge [sflag:s8], $0x2800  }
0x2f6: {  	s1 =	sld [smem:$0x7EE]  }
0x2f7: {  	[sflag:s8] =	ssyncset.done $0x0  }
0x2f8: {  	[sflag:s8] =	ssyncadd.s32 $0xFFFFD800  }
0x2f9: {  	[tilespmem:s15], [sflag:$0x8] =	stream.linear.gather [hbm4b:s1+s2], $0x2800, $0x38;
	[tilespmem:$0x1E428] =	vst v63  }
0x2fa: {  	_ =	swait.ge [sflag:s24], $0x2800  }
0x2fb: {  	[sflag:s24] =	ssyncset.done $0x0  }
0x2fc: {  	[sflag:s24] =	ssyncadd.s32 $0xFFFFD800  }
0x2fd: {  	_ =	swait.ge [sflag:s6], $0x2800  }
0x2fe: {  	[sflag:s6] =	ssyncset.done $0x0  }
0x2ff: {  	[sflag:s6] =	ssyncadd.s32 $0xFFFFD800  }
0x300: {  	[tilespmem:s9], [sflag:$0x4] =	stream.indirect.gather [spmem:s3], $0x1, s10, s17, $0xb8;
	[tilespmem:$0x1E428] =	vst v63  }
0x301: {  	_ =	swait.ge [sflag:s12], $0x2800  }
0x302: {  	s0 =	sld [smem:$0x7EF]  }
0x303: {  	[sflag:s12] =	ssyncset.done $0x0  }
0x304: {  	s1 =	sld [smem:$0x7F0];
	[sflag:s12] =	ssyncadd.s32 $0xFFFFD800  }
0x305: {  	[hbm4b:s0+s2] =	stream.linear.scatter [tilespmem:s9], [sflag:$0x6], $0x2800, $0x38;
	[tilespmem:$0x1E428] =	vst v63  }
0x306: {  	_ = 	snop  }
0x307: {  	[tilespmem:s10], [sflag:$0x2] =	stream.linear.gather [hbm4b:s1+s2], $0x2800, $0x38;
	[tilespmem:$0x1E428] =	vst v63  }
0x308: {  	_ =	swait.ge [sflag:s18], $0x2800  }
0x309: {  	s1 =	sld [smem:$0x7F1]  }
0x30a: {  	[sflag:s18] =	ssyncset.done $0x0  }
0x30b: {  	[sflag:s18] =	ssyncadd.s32 $0xFFFFD800  }
0x30c: {  	[hbm4b:s1+s2] =	stream.linear.scatter [tilespmem:s15], [sflag:$0xA], $0x2800, $0x38;
	[tilespmem:$0x1E428] =	vst v63  }
0x30d: {  	_ =	swait.ge [sflag:s11], $0x2800  }
0x30e: {  	s1 =	sld [smem:$0x7F2]  }
0x30f: {  	[sflag:s11] =	ssyncset.done $0x0  }
0x310: {  	[sflag:s11] =	ssyncadd.s32 $0xFFFFD800  }
0x311: {  	[tilespmem:s23], [sflag:$0x7] =	stream.linear.gather [hbm4b:s1+s2], $0x2800, $0x38;
	[tilespmem:$0x1E428] =	vst v63  }
0x312: {  	_ =	swait.ge [sflag:s30], $0x2800  }
0x313: {  	[sflag:s30] =	ssyncset.done $0x0  }
0x314: {  	[sflag:s30] =	ssyncadd.s32 $0xFFFFD800  }
0x315: {  	_ =	swait.ge [sflag:s7], $0x2800  }
0x316: {  	[sflag:s7] =	ssyncset.done $0x0  }
0x317: {  	[sflag:s7] =	ssyncadd.s32 $0xFFFFD800  }
0x318: {  	[tilespmem:s19], [sflag:$0x3] =	stream.indirect.gather [spmem:s3], $0x1, s21, s17, $0xb8;
	[tilespmem:$0x1E428] =	vst v63  }
0x319: {  	_ =	swait.ge [sflag:s22], $0x2800  }
0x31a: {  	s0 =	sld [smem:$0x7F3]  }
0x31b: {  	[sflag:s22] =	ssyncset.done $0x0  }
0x31c: {  	s1 =	sld [smem:$0x7F4];
	[sflag:s22] =	ssyncadd.s32 $0xFFFFD800  }
0x31d: {  	[hbm4b:s0+s2] =	stream.linear.scatter [tilespmem:s19], [sflag:$0x5], $0x2800, $0x38;
	[tilespmem:$0x1E428] =	vst v63  }
0x31e: {  	_ = 	snop  }
0x31f: {  	[tilespmem:s21], [sflag:$0x1] =	stream.linear.gather [hbm4b:s1+s2], $0x2800, $0x38;
	[tilespmem:$0x1E428] =	vst v63  }
0x320: {  	_ =	swait.ge [sflag:s29], $0x2800  }
0x321: {  	s1 =	sld [smem:$0x7F5]  }
0x322: {  	[sflag:s29] =	ssyncset.done $0x0  }
0x323: {  	[sflag:s29] =	ssyncadd.s32 $0xFFFFD800  }
0x324: {  	[hbm4b:s1+s2] =	stream.linear.scatter [tilespmem:s23], [sflag:$0x9], $0x2800, $0x38;
	[tilespmem:$0x1E428] =	vst v63  }
0x325: {  	_ =	swait.ge [sflag:s8], $0x2800  }
0x326: {  	s1 =	sld [smem:$0x7F6]  }
0x327: {  	[sflag:s8] =	ssyncset.done $0x0  }
0x328: {  	[sflag:s8] =	ssyncadd.s32 $0xFFFFD800  }
0x329: {  	[tilespmem:s15], [sflag:$0x8] =	stream.linear.gather [hbm4b:s1+s2], $0x2800, $0x38;
	[tilespmem:$0x1E428] =	vst v63  }
0x32a: {  	_ =	swait.ge [sflag:s24], $0x2800  }
0x32b: {  	[sflag:s24] =	ssyncset.done $0x0  }
0x32c: {  	[sflag:s24] =	ssyncadd.s32 $0xFFFFD800  }
0x32d: {  	_ =	swait.ge [sflag:s6], $0x2800  }
0x32e: {  	[sflag:s6] =	ssyncset.done $0x0  }
0x32f: {  	[sflag:s6] =	ssyncadd.s32 $0xFFFFD800  }
0x330: {  	[tilespmem:s9], [sflag:$0x4] =	stream.indirect.gather [spmem:s3], $0x1, s10, s17, $0xb8;
	[tilespmem:$0x1E428] =	vst v63  }
0x331: {  	_ =	swait.ge [sflag:s12], $0x2800  }
0x332: {  	s0 =	sld [smem:$0x7F7]  }
0x333: {  	[sflag:s12] =	ssyncset.done $0x0  }
0x334: {  	s1 =	sld [smem:$0x7F8];
	[sflag:s12] =	ssyncadd.s32 $0xFFFFD800  }
0x335: {  	[hbm4b:s0+s2] =	stream.linear.scatter [tilespmem:s9], [sflag:$0x6], $0x2800, $0x38;
	[tilespmem:$0x1E428] =	vst v63  }
0x336: {  	_ = 	snop  }
0x337: {  	[tilespmem:s10], [sflag:$0x2] =	stream.linear.gather [hbm4b:s1+s2], $0x2800, $0x38;
	[tilespmem:$0x1E428] =	vst v63  }
0x338: {  	_ =	swait.ge [sflag:s18], $0x2800  }
0x339: {  	s1 =	sld [smem:$0x7F9]  }
0x33a: {  	[sflag:s18] =	ssyncset.done $0x0  }
0x33b: {  	[sflag:s18] =	ssyncadd.s32 $0xFFFFD800  }
0x33c: {  	[hbm4b:s1+s2] =	stream.linear.scatter [tilespmem:s15], [sflag:$0xA], $0x2800, $0x38;
	[tilespmem:$0x1E428] =	vst v63  }
0x33d: {  	_ =	swait.ge [sflag:s11], $0x2800  }
0x33e: {  	s1 =	sld [smem:$0x7FA]  }
0x33f: {  	[sflag:s11] =	ssyncset.done $0x0  }
0x340: {  	[sflag:s11] =	ssyncadd.s32 $0xFFFFD800  }
0x341: {  	[tilespmem:s23], [sflag:$0x7] =	stream.linear.gather [hbm4b:s1+s2], $0x2800, $0x38;
	[tilespmem:$0x1E428] =	vst v63  }
0x342: {  	_ =	swait.ge [sflag:s30], $0x2800  }
0x343: {  	[sflag:s30] =	ssyncset.done $0x0  }
0x344: {  	[sflag:s30] =	ssyncadd.s32 $0xFFFFD800  }
0x345: {  	_ =	swait.ge [sflag:s7], $0x2800  }
0x346: {  	[sflag:s7] =	ssyncset.done $0x0  }
0x347: {  	[sflag:s7] =	ssyncadd.s32 $0xFFFFD800  }
0x348: {  	[tilespmem:s19], [sflag:$0x3] =	stream.indirect.gather [spmem:s3], $0x1, s21, s17, $0xb8;
	[tilespmem:$0x1E428] =	vst v63  }
0x349: {  	_ =	swait.ge [sflag:s22], $0x2800  }
0x34a: {  	s0 =	sld [smem:$0x7FB]  }
0x34b: {  	[sflag:s22] =	ssyncset.done $0x0  }
0x34c: {  	s1 =	sld [smem:$0x7FC];
	[sflag:s22] =	ssyncadd.s32 $0xFFFFD800  }
0x34d: {  	[hbm4b:s0+s2] =	stream.linear.scatter [tilespmem:s19], [sflag:$0x5], $0x2800, $0x38;
	[tilespmem:$0x1E428] =	vst v63  }
0x34e: {  	_ = 	snop  }
0x34f: {  	[tilespmem:s21], [sflag:$0x1] =	stream.linear.gather [hbm4b:s1+s2], $0x2800, $0x38;
	[tilespmem:$0x1E428] =	vst v63  }
0x350: {  	_ =	swait.ge [sflag:s29], $0x2800  }
0x351: {  	s1 =	sld [smem:$0x7FD]  }
0x352: {  	[sflag:s29] =	ssyncset.done $0x0  }
0x353: {  	[sflag:s29] =	ssyncadd.s32 $0xFFFFD800  }
0x354: {  	[hbm4b:s1+s2] =	stream.linear.scatter [tilespmem:s23], [sflag:$0x9], $0x2800, $0x38;
	[tilespmem:$0x1E428] =	vst v63  }
0x355: {  	_ =	swait.ge [sflag:s8], $0x2800  }
0x356: {  	[sflag:s8] =	ssyncset.done $0x0  }
0x357: {  	[sflag:s8] =	ssyncadd.s32 $0xFFFFD800  }
0x358: {  	[tilespmem:s15], [sflag:$0x8] =	stream.linear.gather [hbm4b:s28+s2], $0x2800, $0x38;
	[tilespmem:$0x1E428] =	vst v63  }
0x359: {  	_ =	swait.ge [sflag:s24], $0x2800  }
0x35a: {  	[sflag:s24] =	ssyncset.done $0x0  }
0x35b: {  	[sflag:s24] =	ssyncadd.s32 $0xFFFFD800  }
0x35c: {  	_ =	swait.ge [sflag:s6], $0x2800  }
0x35d: {  	[sflag:s6] =	ssyncset.done $0x0  }
0x35e: {  	[sflag:s6] =	ssyncadd.s32 $0xFFFFD800  }
0x35f: {  	[tilespmem:s9], [sflag:$0x4] =	stream.indirect.gather [spmem:s3], $0x1, s10, s17, $0xb8;
	[tilespmem:$0x1E428] =	vst v63  }
0x360: {  	_ =	swait.ge [sflag:s12], $0x2800  }
0x361: {  	[sflag:s12] =	ssyncset.done $0x0  }
0x362: {  	[sflag:s12] =	ssyncadd.s32 $0xFFFFD800  }
0x363: {  	[hbm4b:s26+s2] =	stream.linear.scatter [tilespmem:s9], [sflag:$0x6], $0x2800, $0x38;
	[tilespmem:$0x1E428] =	vst v63  }
0x364: {  	_ = 	snop  }
0x365: {  	[tilespmem:s10], [sflag:$0x2] =	stream.linear.gather [hbm4b:s5+s2], $0x2800, $0x38;
	[tilespmem:$0x1E428] =	vst v63  }
0x366: {  	_ =	swait.ge [sflag:s18], $0x2800  }
0x367: {  	[sflag:s18] =	ssyncset.done $0x0  }
0x368: {  	[sflag:s18] =	ssyncadd.s32 $0xFFFFD800  }
0x369: {  	[hbm4b:s25+s2] =	stream.linear.scatter [tilespmem:s15], [sflag:$0xA], $0x2800, $0x38;
	[tilespmem:$0x1E428] =	vst v63  }
0x36a: {  	_ =	swait.ge [sflag:s11], $0x2800  }
0x36b: {  	[sflag:s11] =	ssyncset.done $0x0  }
0x36c: {  	[sflag:s11] =	ssyncadd.s32 $0xFFFFD800  }
0x36d: {  	[tilespmem:s23], [sflag:$0x7] =	stream.linear.gather [hbm4b:s20+s2], $0x2800, $0x38;
	[tilespmem:$0x1E428] =	vst v63  }
0x36e: {  	_ =	swait.ge [sflag:s30], $0x2800  }
0x36f: {  	[sflag:s30] =	ssyncset.done $0x0  }
0x370: {  	[sflag:s30] =	ssyncadd.s32 $0xFFFFD800  }
0x371: {  	_ =	swait.ge [sflag:s7], $0x2800  }
0x372: {  	[sflag:s7] =	ssyncset.done $0x0  }
0x373: {  	[sflag:s7] =	ssyncadd.s32 $0xFFFFD800  }
0x374: {  	[tilespmem:s19], [sflag:$0x3] =	stream.indirect.gather [spmem:s3], $0x1, s21, s17, $0xb8;
	[tilespmem:$0x1E428] =	vst v63  }
0x375: {  	_ =	swait.ge [sflag:s22], $0x2800  }
0x376: {  	[sflag:s22] =	ssyncset.done $0x0  }
0x377: {  	[sflag:s22] =	ssyncadd.s32 $0xFFFFD800  }
0x378: {  	[hbm4b:s16+s2] =	stream.linear.scatter [tilespmem:s19], [sflag:$0x5], $0x2800, $0x38;
	[tilespmem:$0x1E428] =	vst v63  }
0x379: {  	_ =	swait.ge [sflag:s29], $0x2800  }
0x37a: {  	[sflag:s29] =	ssyncset.done $0x0  }
0x37b: {  	[sflag:s29] =	ssyncadd.s32 $0xFFFFD800  }
0x37c: {  	[hbm4b:s14+s2] =	stream.linear.scatter [tilespmem:s23], [sflag:$0x9], $0x2800, $0x38;
	[tilespmem:$0x1E428] =	vst v63  }
0x37d: {  	_ =	swait.ge [sflag:s8], $0x2800  }
0x37e: {  	[sflag:s8] =	ssyncset.done $0x0  }
0x37f: {  	[sflag:s8] =	ssyncadd.s32 $0xFFFFD800  }
0x380: {  	[tilespmem:s15], [sflag:$0x8] =	stream.linear.gather [hbm4b:s13+s2], $0x2800, $0x38;
	[tilespmem:$0x1E428] =	vst v63  }
0x381: {  	_ =	swait.ge [sflag:s24], $0x2800  }
0x382: {  	[sflag:s24] =	ssyncset.done $0x0  }
0x383: {  	[sflag:s24] =	ssyncadd.s32 $0xFFFFD800  }
0x384: {  	_ =	swait.ge [sflag:s6], $0x2800  }
0x385: {  	[sflag:s6] =	ssyncset.done $0x0  }
0x386: {  	[sflag:s6] =	ssyncadd.s32 $0xFFFFD800  }
0x387: {  	[tilespmem:s9], [sflag:$0x4] =	stream.indirect.gather [spmem:s3], $0x1, s10, s17, $0xb8;
	[tilespmem:$0x1E428] =	vst v63  }
0x388: {  	_ =	swait.ge [sflag:s12], $0x2800  }
0x389: {  	[sflag:s12] =	ssyncset.done $0x0  }
0x38a: {  	[sflag:s12] =	ssyncadd.s32 $0xFFFFD800  }
0x38b: {  	[hbm4b:s4+s2] =	stream.linear.scatter [tilespmem:s9], [sflag:$0x6], $0x2800, $0x38;
	[tilespmem:$0x1E428] =	vst v63  }
0x38c: {  	_ =	swait.ge [sflag:s18], $0x2800  }
0x38d: {  	[sflag:s18] =	ssyncset.done $0x0  }
0x38e: {  	[sflag:s18] =	ssyncadd.s32 $0xFFFFD800  }
0x38f: {  	[hbm4b:s31+s2] =	stream.linear.scatter [tilespmem:s15], [sflag:$0xA], $0x2800, $0x38;
	[tilespmem:$0x1E428] =	vst v63  }
0x390: {  	_ =	swait.ge [sflag:s7], $0x2800  }
0x391: {  	[sflag:s7] =	ssyncset.done $0x0  }
0x392: {  	[sflag:s7] =	ssyncadd.s32 $0xFFFFD800  }
0x393: {  	_ =	swait.ge [sflag:s6], $0x2800  }
0x394: {  	[sflag:s6] =	ssyncset.done $0x0  }
0x395: {  	[sflag:s6] =	ssyncadd.s32 $0xFFFFD800  }
0x396: {  	_ =	swait.ge [sflag:s11], $0x2800  }
0x397: {  	[sflag:s11] =	ssyncset.done $0x0  }
0x398: {  	[sflag:s11] =	ssyncadd.s32 $0xFFFFD800  }
0x399: {  	_ =	swait.ge [sflag:s8], $0x2800  }
0x39a: {  	[sflag:s8] =	ssyncset.done $0x0  }
0x39b: {  	[sflag:s8] =	ssyncadd.s32 $0xFFFFD800  }
0x39c: {  	_ =	sfence.sel $0x180000  }
0x39d: {  	[bflag:$0x0] =	sbarrier.arrive $0xFFFF  }
0x39e: {  	_ =	strace $0x90000047  }
0x39f: {  	s31 =	stileid.u32;
	[bflag:$0x2] =	sbarrier.arrive $0xFFFF  }
0x3a0: {  	p0 =	sne.s32 s31, $0x0;
	s0 =	rddreg [dreg:$0x6]  }
0x3a1: {  	s0 =	sadd.s32 @!p0 $0x100000, s0  }
0x3a2: {  	[sflag:s0] =	ssyncadd.tile.s32 @!p0 $0x1;
	_ =	shalt  }
.Lfunc_end2:
_tile_overlayer_lowered:
.L_overlay_start_2:
0x3a3: {  	(tag) =	ssettag $0x2  }
0x3a4: {  	s0 =	rddreg [dreg:$0x0];
	s2 =	stileid.u32  }
0x3a5: {  	s1 =	rddreg [dreg:$0x1];
	p0 =	sne.s32 s2, $0x0  }
0x3a6: {  	s3 =	rddreg [dreg:$0x2];
	[bflag:$0x3] =	sbarrier.arrive $0xFFFF;
	s2 =	simm.s32 @!p0 $0x1C0B  }
0x3a7: {  	[timem:s3], [sflag:s2] =	dma.local @!p0 [hbm:s0], s1  }
0x3a8: {  	s0 =	simm.s32 @!p0 $0xB  }
0x3a9: {  	_ =	swait.ge @!p0 [sflag:s0], s1  }
0x3aa: {  	s1 =	ssub.s32 @!p0 $0x0, s1;
	[sflag:s0] =	ssyncset.done @!p0 $0x0  }
0x3ab: {  	[sflag:s0] =	ssyncadd.s32 @!p0 s1  }
0x3ac: {  	[bflag:$0x3] =	sbarrier.arrive $0xFFFF  }
0x3ad: {  	_ =	shalt  }

</sc_bundles>
